<compile_context>
chip_gen: v7x
topology: tpu7x:2x2x1
jax: 0.10.2.dev20260603
libtpu: 0.0.44.dev20260713+nightly
codegen_flags: <defaults>
</compile_context>

<pallas_src>
import functools

import jax
import jax.numpy as jnp
from jax import lax
from jax.experimental import pallas as pl
from jax.experimental.pallas import tpu as pltpu
from jax.experimental.pallas import tpu_sc as plsc

NUM_CORES = 2
NUM_SUBCORES = 16
NW = NUM_CORES * NUM_SUBCORES
CHUNK = 64
NBUF = 10
LOOKAHEAD = 6


@functools.partial(jax.jit, static_argnums=(2, 3))
def _gather_rows(w, idx_flat, n_rows, d):
    b_per_w = n_rows // NW
    n_chunks = b_per_w // CHUNK
    mesh = plsc.VectorSubcoreMesh(core_axis_name="c", subcore_axis_name="s")
    n_edge = NBUF - LOOKAHEAD
    n_main = n_chunks - LOOKAHEAD - n_edge
    assert n_main % NBUF == 0 and n_main > 0

    @functools.partial(
        pl.kernel,
        mesh=mesh,
        out_type=jax.ShapeDtypeStruct((n_rows, d), jnp.float32),
        scratch_types=[pltpu.VMEM((b_per_w,), jnp.int32)]
        + [pltpu.VMEM((CHUNK, d), jnp.float32) for _ in range(NBUF)]
        + [pltpu.SemaphoreType.DMA for _ in range(NBUF)]
        + [pltpu.SemaphoreType.DMA for _ in range(NBUF)],
    )
    def k(table_hbm, idx_hbm, out_hbm, idx_v, *scratch):
        bufs = scratch[:NBUF]
        gsems = scratch[NBUF : 2 * NBUF]
        ssems = scratch[2 * NBUF :]
        wid = lax.axis_index("s") * NUM_CORES + lax.axis_index("c")
        base = pl.multiple_of(wid * b_per_w, 8)
        pltpu.sync_copy(idx_hbm.at[pl.ds(base, b_per_w)], idx_v)

        def start_gather(c):
            b = c % NBUF
            pltpu.async_copy(
                table_hbm.at[idx_v.at[pl.ds(c * CHUNK, CHUNK)]],
                bufs[b],
                gsems[b],
            )

        def wait_gather(b):
            pltpu.make_async_copy(
                table_hbm.at[pl.ds(0, CHUNK)], bufs[b], gsems[b]
            ).wait()

        def start_scatter(c, b):
            off = pl.multiple_of(base + c * CHUNK, 8)
            pltpu.async_copy(bufs[b], out_hbm.at[pl.ds(off, CHUNK)], ssems[b])

        def wait_scatter(b):
            pltpu.make_async_copy(
                bufs[b], out_hbm.at[pl.ds(0, CHUNK)], ssems[b]
            ).wait()

        for c in range(LOOKAHEAD):
            start_gather(c)
        for c in range(n_edge):
            start_gather(c + LOOKAHEAD)
            wait_gather(c % NBUF)
            start_scatter(c, c % NBUF)

        def body(i, carry):
            for j in range(NBUF):
                c = i * NBUF + j
                bb = (n_edge + j + LOOKAHEAD) % NBUF
                b = (n_edge + j) % NBUF
                wait_scatter(bb)
                cc = c + n_edge + LOOKAHEAD
                pltpu.async_copy(
                    table_hbm.at[idx_v.at[pl.ds(cc * CHUNK, CHUNK)]],
                    bufs[bb],
                    gsems[bb],
                )
                wait_gather(b)
                start_scatter(c + n_edge, b)
            return carry

        lax.fori_loop(0, n_main // NBUF, body, 0)
        for c in range(n_chunks - LOOKAHEAD, n_chunks):
            wait_gather(c % NBUF)
            start_scatter(c, c % NBUF)
        for b in range(NBUF):
            wait_scatter(b)

    return k(w, idx_flat)


def kernel(token_ids, w):
    n_rows = token_ids.size
    d = w.shape[1]
    idx_flat = token_ids.reshape(-1).astype(jnp.int32)
    out = _gather_rows(w, idx_flat, n_rows, d)
    return out.reshape(*token_ids.shape, d)

# --- scband reference (transcript-rebuilt; emitter-appended) ---
"""Pipeline reference for scband-embedding-3917010174575 (READ-ONLY COPY).

The authoritative reference and input builder live on the scoring server;
editing this copy changes nothing except your own understanding.
"""

import jax, jax.numpy as jnp
import numpy as np

NUM_EMBEDDINGS = 100000
EMBEDDING_DIM = 128

def setup_inputs(seed: int = 0) -> dict:
    key = jax.random.key(seed)
    k_idx, k_w = jax.random.split(key)
    token_ids = jax.random.randint(k_idx, (1024, 200), 0, NUM_EMBEDDINGS, dtype=jnp.int64 if jax.config.jax_enable_x64 else jnp.int32)
    # trunc_normal_(mean=0, std=1, a=-3, b=3)
    w = jax.random.truncated_normal(k_w, -3.0, 3.0, (NUM_EMBEDDINGS, EMBEDDING_DIM), dtype=jnp.float32)
    return {"token_ids": token_ids, "w": w}

def reference(token_ids, w):
    # output: [..., d_model] = w[token_ids]
    return jnp.take(w, token_ids, axis=0)

if __name__ == "__main__":
    import jax
    _d = setup_inputs()
    print(jax.jit(kernel)(*tuple(_d.values())))

</pallas_src>

<mosaic_0001>
#map = affine_map<(d0, d1) -> (0, 0)>
#map1 = affine_map<(d0, d1) -> (0)>
module attributes {stable_mosaic.version = 14 : i64} {
  func.func @k(%arg0: i32, %arg1: i32, %arg2: memref<100000x128xf32, #tpu.memory_space<hbm>>, %arg3: memref<204800xi32, #tpu.memory_space<hbm>>, %arg4: memref<204800x128xf32, #tpu.memory_space<hbm>>, %arg5: memref<6400xi32, #tpu.memory_space<vmem>>, %arg6: memref<64x128xf32, #tpu.memory_space<vmem>>, %arg7: memref<64x128xf32, #tpu.memory_space<vmem>>, %arg8: memref<64x128xf32, #tpu.memory_space<vmem>>, %arg9: memref<64x128xf32, #tpu.memory_space<vmem>>, %arg10: memref<64x128xf32, #tpu.memory_space<vmem>>, %arg11: memref<64x128xf32, #tpu.memory_space<vmem>>, %arg12: memref<64x128xf32, #tpu.memory_space<vmem>>, %arg13: memref<64x128xf32, #tpu.memory_space<vmem>>, %arg14: memref<64x128xf32, #tpu.memory_space<vmem>>, %arg15: memref<64x128xf32, #tpu.memory_space<vmem>>, %arg16: memref<!tpu.dma_semaphore, #tpu.memory_space<semaphore_mem>>, %arg17: memref<!tpu.dma_semaphore, #tpu.memory_space<semaphore_mem>>, %arg18: memref<!tpu.dma_semaphore, #tpu.memory_space<semaphore_mem>>, %arg19: memref<!tpu.dma_semaphore, #tpu.memory_space<semaphore_mem>>, %arg20: memref<!tpu.dma_semaphore, #tpu.memory_space<semaphore_mem>>, %arg21: memref<!tpu.dma_semaphore, #tpu.memory_space<semaphore_mem>>, %arg22: memref<!tpu.dma_semaphore, #tpu.memory_space<semaphore_mem>>, %arg23: memref<!tpu.dma_semaphore, #tpu.memory_space<semaphore_mem>>, %arg24: memref<!tpu.dma_semaphore, #tpu.memory_space<semaphore_mem>>, %arg25: memref<!tpu.dma_semaphore, #tpu.memory_space<semaphore_mem>>, %arg26: memref<!tpu.dma_semaphore, #tpu.memory_space<semaphore_mem>>, %arg27: memref<!tpu.dma_semaphore, #tpu.memory_space<semaphore_mem>>, %arg28: memref<!tpu.dma_semaphore, #tpu.memory_space<semaphore_mem>>, %arg29: memref<!tpu.dma_semaphore, #tpu.memory_space<semaphore_mem>>, %arg30: memref<!tpu.dma_semaphore, #tpu.memory_space<semaphore_mem>>, %arg31: memref<!tpu.dma_semaphore, #tpu.memory_space<semaphore_mem>>, %arg32: memref<!tpu.dma_semaphore, #tpu.memory_space<semaphore_mem>>, %arg33: memref<!tpu.dma_semaphore, #tpu.memory_space<semaphore_mem>>, %arg34: memref<!tpu.dma_semaphore, #tpu.memory_space<semaphore_mem>>, %arg35: memref<!tpu.dma_semaphore, #tpu.memory_space<semaphore_mem>>) attributes {dimension_semantics = [#tpu.dimension_semantics<core_parallel>, #tpu.dimension_semantics<subcore_parallel>], iteration_bounds = array<i64: 2, 16>, scalar_prefetch = 0 : i64, scratch_operands = 31 : i64, tpu.core_type = #tpu.core_type<sc_vector_subcore>, window_params = [{transform_indices = #map}, {transform_indices = #map1}, {transform_indices = #map}]} {
    %mul3A = arith.constant 2 : i32
    %mul3A_0 = arith.muli %arg1, %mul3A : i32
    %add3A = arith.addi %mul3A_0, %arg0 : i32
    %mul3A_1 = arith.constant 6400 : i32
    %mul3A_2 = arith.muli %add3A, %mul3A_1 : i32
    %multiple_of3A = tpu.assume_multiple %mul3A_2, 8 : i32
    "tpu.region"() ({
      %run_scoped3A = tpu.sem_alloc : memref<!tpu.dma_semaphore, #tpu.memory_space<semaphore_mem>>
      %dma_start3A_246 = tpu.memref_slice %arg3[%multiple_of3A] : memref<204800xi32, #tpu.memory_space<hbm>> -> memref<6400xi32, #tpu.memory_space<hbm>>
      %dma_start3A_247 = tpu.memref_slice %arg3[%multiple_of3A] : memref<204800xi32, #tpu.memory_space<hbm>> -> memref<6400xi32, #tpu.memory_space<hbm>>
      tpu.enqueue_dma source(%dma_start3A_247 : memref<6400xi32, #tpu.memory_space<hbm>>) target(%arg5 : memref<6400xi32, #tpu.memory_space<vmem>>) target_semaphore(%run_scoped3A : memref<!tpu.dma_semaphore, #tpu.memory_space<semaphore_mem>>)
      %dma_wait3A_248 = tpu.memref_slice %arg3[%multiple_of3A] : memref<204800xi32, #tpu.memory_space<hbm>> -> memref<6400xi32, #tpu.memory_space<hbm>>
      %dma_wait3A_249 = tpu.memref_slice %arg3[%multiple_of3A] : memref<204800xi32, #tpu.memory_space<hbm>> -> memref<6400xi32, #tpu.memory_space<hbm>>
      tpu.wait_dma2 semaphore(%run_scoped3A : memref<!tpu.dma_semaphore, #tpu.memory_space<semaphore_mem>>) src(%dma_wait3A_249 : memref<6400xi32, #tpu.memory_space<hbm>>) dst(%arg5 : memref<6400xi32, #tpu.memory_space<vmem>>)
      tpu.yield
    }) : () -> ()
    %dma_start3A = arith.constant 0 : i32
    %dma_start3A_3 = tpu.memref_slice %arg5[%dma_start3A] : memref<6400xi32, #tpu.memory_space<vmem>> -> memref<64xi32, #tpu.memory_space<vmem>>
    %dma_start3A_4 = arith.constant 0 : i32
    %dma_start3A_5 = arith.constant 0 : i32
    %dma_start3A_6 = tpu.memref_slice %arg2[%dma_start3A_4, %dma_start3A_5] : memref<100000x128xf32, #tpu.memory_space<hbm>> -> memref<100000x128xf32, #tpu.memory_space<hbm>>
    tpu.enqueue_indirect_dma source(%dma_start3A_6 : memref<100000x128xf32, #tpu.memory_space<hbm>>) target(%arg6 : memref<64x128xf32, #tpu.memory_space<vmem>>) offsets(%dma_start3A_3 : memref<64xi32, #tpu.memory_space<vmem>>) semaphore(%arg16 : memref<!tpu.dma_semaphore, #tpu.memory_space<semaphore_mem>>)
    %dma_start3A_7 = arith.constant 64 : i32
    %dma_start3A_8 = tpu.memref_slice %arg5[%dma_start3A_7] : memref<6400xi32, #tpu.memory_space<vmem>> -> memref<64xi32, #tpu.memory_space<vmem>>
    %dma_start3A_9 = arith.constant 0 : i32
    %dma_start3A_10 = arith.constant 0 : i32
    %dma_start3A_11 = tpu.memref_slice %arg2[%dma_start3A_9, %dma_start3A_10] : memref<100000x128xf32, #tpu.memory_space<hbm>> -> memref<100000x128xf32, #tpu.memory_space<hbm>>
    tpu.enqueue_indirect_dma source(%dma_start3A_11 : memref<100000x128xf32, #tpu.memory_space<hbm>>) target(%arg7 : memref<64x128xf32, #tpu.memory_space<vmem>>) offsets(%dma_start3A_8 : memref<64xi32, #tpu.memory_space<vmem>>) semaphore(%arg17 : memref<!tpu.dma_semaphore, #tpu.memory_space<semaphore_mem>>)
    %dma_start3A_12 = arith.constant 128 : i32
    %dma_start3A_13 = tpu.memref_slice %arg5[%dma_start3A_12] : memref<6400xi32, #tpu.memory_space<vmem>> -> memref<64xi32, #tpu.memory_space<vmem>>
    %dma_start3A_14 = arith.constant 0 : i32
    %dma_start3A_15 = arith.constant 0 : i32
    %dma_start3A_16 = tpu.memref_slice %arg2[%dma_start3A_14, %dma_start3A_15] : memref<100000x128xf32, #tpu.memory_space<hbm>> -> memref<100000x128xf32, #tpu.memory_space<hbm>>
    tpu.enqueue_indirect_dma source(%dma_start3A_16 : memref<100000x128xf32, #tpu.memory_space<hbm>>) target(%arg8 : memref<64x128xf32, #tpu.memory_space<vmem>>) offsets(%dma_start3A_13 : memref<64xi32, #tpu.memory_space<vmem>>) semaphore(%arg18 : memref<!tpu.dma_semaphore, #tpu.memory_space<semaphore_mem>>)
    %dma_start3A_17 = arith.constant 192 : i32
    %dma_start3A_18 = tpu.memref_slice %arg5[%dma_start3A_17] : memref<6400xi32, #tpu.memory_space<vmem>> -> memref<64xi32, #tpu.memory_space<vmem>>
    %dma_start3A_19 = arith.constant 0 : i32
    %dma_start3A_20 = arith.constant 0 : i32
    %dma_start3A_21 = tpu.memref_slice %arg2[%dma_start3A_19, %dma_start3A_20] : memref<100000x128xf32, #tpu.memory_space<hbm>> -> memref<100000x128xf32, #tpu.memory_space<hbm>>
    tpu.enqueue_indirect_dma source(%dma_start3A_21 : memref<100000x128xf32, #tpu.memory_space<hbm>>) target(%arg9 : memref<64x128xf32, #tpu.memory_space<vmem>>) offsets(%dma_start3A_18 : memref<64xi32, #tpu.memory_space<vmem>>) semaphore(%arg19 : memref<!tpu.dma_semaphore, #tpu.memory_space<semaphore_mem>>)
    %dma_start3A_22 = arith.constant 256 : i32
    %dma_start3A_23 = tpu.memref_slice %arg5[%dma_start3A_22] : memref<6400xi32, #tpu.memory_space<vmem>> -> memref<64xi32, #tpu.memory_space<vmem>>
    %dma_start3A_24 = arith.constant 0 : i32
    %dma_start3A_25 = arith.constant 0 : i32
    %dma_start3A_26 = tpu.memref_slice %arg2[%dma_start3A_24, %dma_start3A_25] : memref<100000x128xf32, #tpu.memory_space<hbm>> -> memref<100000x128xf32, #tpu.memory_space<hbm>>
    tpu.enqueue_indirect_dma source(%dma_start3A_26 : memref<100000x128xf32, #tpu.memory_space<hbm>>) target(%arg10 : memref<64x128xf32, #tpu.memory_space<vmem>>) offsets(%dma_start3A_23 : memref<64xi32, #tpu.memory_space<vmem>>) semaphore(%arg20 : memref<!tpu.dma_semaphore, #tpu.memory_space<semaphore_mem>>)
    %dma_start3A_27 = arith.constant 320 : i32
    %dma_start3A_28 = tpu.memref_slice %arg5[%dma_start3A_27] : memref<6400xi32, #tpu.memory_space<vmem>> -> memref<64xi32, #tpu.memory_space<vmem>>
    %dma_start3A_29 = arith.constant 0 : i32
    %dma_start3A_30 = arith.constant 0 : i32
    %dma_start3A_31 = tpu.memref_slice %arg2[%dma_start3A_29, %dma_start3A_30] : memref<100000x128xf32, #tpu.memory_space<hbm>> -> memref<100000x128xf32, #tpu.memory_space<hbm>>
    tpu.enqueue_indirect_dma source(%dma_start3A_31 : memref<100000x128xf32, #tpu.memory_space<hbm>>) target(%arg11 : memref<64x128xf32, #tpu.memory_space<vmem>>) offsets(%dma_start3A_28 : memref<64xi32, #tpu.memory_space<vmem>>) semaphore(%arg21 : memref<!tpu.dma_semaphore, #tpu.memory_space<semaphore_mem>>)
    %dma_start3A_32 = arith.constant 384 : i32
    %dma_start3A_33 = tpu.memref_slice %arg5[%dma_start3A_32] : memref<6400xi32, #tpu.memory_space<vmem>> -> memref<64xi32, #tpu.memory_space<vmem>>
    %dma_start3A_34 = arith.constant 0 : i32
    %dma_start3A_35 = arith.constant 0 : i32
    %dma_start3A_36 = tpu.memref_slice %arg2[%dma_start3A_34, %dma_start3A_35] : memref<100000x128xf32, #tpu.memory_space<hbm>> -> memref<100000x128xf32, #tpu.memory_space<hbm>>
    tpu.enqueue_indirect_dma source(%dma_start3A_36 : memref<100000x128xf32, #tpu.memory_space<hbm>>) target(%arg12 : memref<64x128xf32, #tpu.memory_space<vmem>>) offsets(%dma_start3A_33 : memref<64xi32, #tpu.memory_space<vmem>>) semaphore(%arg22 : memref<!tpu.dma_semaphore, #tpu.memory_space<semaphore_mem>>)
    %dma_wait3A = arith.constant 0 : i32
    %dma_wait3A_37 = arith.constant 0 : i32
    %dma_wait3A_38 = tpu.memref_slice %arg2[%dma_wait3A, %dma_wait3A_37] : memref<100000x128xf32, #tpu.memory_space<hbm>> -> memref<64x128xf32, #tpu.memory_space<hbm>>
    %dma_wait3A_39 = arith.constant 0 : i32
    %dma_wait3A_40 = arith.constant 0 : i32
    %dma_wait3A_41 = tpu.memref_slice %arg2[%dma_wait3A_39, %dma_wait3A_40] : memref<100000x128xf32, #tpu.memory_space<hbm>> -> memref<64x128xf32, #tpu.memory_space<hbm>>
    tpu.wait_dma2 semaphore(%arg16 : memref<!tpu.dma_semaphore, #tpu.memory_space<semaphore_mem>>) src(%dma_wait3A_41 : memref<64x128xf32, #tpu.memory_space<hbm>>) dst(%arg6 : memref<64x128xf32, #tpu.memory_space<vmem>>)
    %add3A_42 = arith.constant 0 : i32
    %add3A_43 = arith.addi %multiple_of3A, %add3A_42 : i32
    %multiple_of3A_44 = tpu.assume_multiple %add3A_43, 8 : i32
    %dma_start3A_45 = arith.constant 0 : i32
    %dma_start3A_46 = tpu.memref_slice %arg4[%multiple_of3A_44, %dma_start3A_45] : memref<204800x128xf32, #tpu.memory_space<hbm>> -> memref<64x128xf32, #tpu.memory_space<hbm>>
    %dma_start3A_47 = arith.constant 0 : i32
    %dma_start3A_48 = tpu.memref_slice %arg4[%multiple_of3A_44, %dma_start3A_47] : memref<204800x128xf32, #tpu.memory_space<hbm>> -> memref<64x128xf32, #tpu.memory_space<hbm>>
    tpu.enqueue_dma source(%arg6 : memref<64x128xf32, #tpu.memory_space<vmem>>) target(%dma_start3A_48 : memref<64x128xf32, #tpu.memory_space<hbm>>) target_semaphore(%arg26 : memref<!tpu.dma_semaphore, #tpu.memory_space<semaphore_mem>>)
    %dma_start3A_49 = arith.constant 448 : i32
    %dma_start3A_50 = tpu.memref_slice %arg5[%dma_start3A_49] : memref<6400xi32, #tpu.memory_space<vmem>> -> memref<64xi32, #tpu.memory_space<vmem>>
    %dma_start3A_51 = arith.constant 0 : i32
    %dma_start3A_52 = arith.constant 0 : i32
    %dma_start3A_53 = tpu.memref_slice %arg2[%dma_start3A_51, %dma_start3A_52] : memref<100000x128xf32, #tpu.memory_space<hbm>> -> memref<100000x128xf32, #tpu.memory_space<hbm>>
    tpu.enqueue_indirect_dma source(%dma_start3A_53 : memref<100000x128xf32, #tpu.memory_space<hbm>>) target(%arg13 : memref<64x128xf32, #tpu.memory_space<vmem>>) offsets(%dma_start3A_50 : memref<64xi32, #tpu.memory_space<vmem>>) semaphore(%arg23 : memref<!tpu.dma_semaphore, #tpu.memory_space<semaphore_mem>>)
    %dma_wait3A_54 = arith.constant 0 : i32
    %dma_wait3A_55 = arith.constant 0 : i32
    %dma_wait3A_56 = tpu.memref_slice %arg2[%dma_wait3A_54, %dma_wait3A_55] : memref<100000x128xf32, #tpu.memory_space<hbm>> -> memref<64x128xf32, #tpu.memory_space<hbm>>
    %dma_wait3A_57 = arith.constant 0 : i32
    %dma_wait3A_58 = arith.constant 0 : i32
    %dma_wait3A_59 = tpu.memref_slice %arg2[%dma_wait3A_57, %dma_wait3A_58] : memref<100000x128xf32, #tpu.memory_space<hbm>> -> memref<64x128xf32, #tpu.memory_space<hbm>>
    tpu.wait_dma2 semaphore(%arg17 : memref<!tpu.dma_semaphore, #tpu.memory_space<semaphore_mem>>) src(%dma_wait3A_59 : memref<64x128xf32, #tpu.memory_space<hbm>>) dst(%arg7 : memref<64x128xf32, #tpu.memory_space<vmem>>)
    %add3A_60 = arith.constant 64 : i32
    %add3A_61 = arith.addi %multiple_of3A, %add3A_60 : i32
    %multiple_of3A_62 = tpu.assume_multiple %add3A_61, 8 : i32
    %dma_start3A_63 = arith.constant 0 : i32
    %dma_start3A_64 = tpu.memref_slice %arg4[%multiple_of3A_62, %dma_start3A_63] : memref<204800x128xf32, #tpu.memory_space<hbm>> -> memref<64x128xf32, #tpu.memory_space<hbm>>
    %dma_start3A_65 = arith.constant 0 : i32
    %dma_start3A_66 = tpu.memref_slice %arg4[%multiple_of3A_62, %dma_start3A_65] : memref<204800x128xf32, #tpu.memory_space<hbm>> -> memref<64x128xf32, #tpu.memory_space<hbm>>
    tpu.enqueue_dma source(%arg7 : memref<64x128xf32, #tpu.memory_space<vmem>>) target(%dma_start3A_66 : memref<64x128xf32, #tpu.memory_space<hbm>>) target_semaphore(%arg27 : memref<!tpu.dma_semaphore, #tpu.memory_space<semaphore_mem>>)
    %dma_start3A_67 = arith.constant 512 : i32
    %dma_start3A_68 = tpu.memref_slice %arg5[%dma_start3A_67] : memref<6400xi32, #tpu.memory_space<vmem>> -> memref<64xi32, #tpu.memory_space<vmem>>
    %dma_start3A_69 = arith.constant 0 : i32
    %dma_start3A_70 = arith.constant 0 : i32
    %dma_start3A_71 = tpu.memref_slice %arg2[%dma_start3A_69, %dma_start3A_70] : memref<100000x128xf32, #tpu.memory_space<hbm>> -> memref<100000x128xf32, #tpu.memory_space<hbm>>
    tpu.enqueue_indirect_dma source(%dma_start3A_71 : memref<100000x128xf32, #tpu.memory_space<hbm>>) target(%arg14 : memref<64x128xf32, #tpu.memory_space<vmem>>) offsets(%dma_start3A_68 : memref<64xi32, #tpu.memory_space<vmem>>) semaphore(%arg24 : memref<!tpu.dma_semaphore, #tpu.memory_space<semaphore_mem>>)
    %dma_wait3A_72 = arith.constant 0 : i32
    %dma_wait3A_73 = arith.constant 0 : i32
    %dma_wait3A_74 = tpu.memref_slice %arg2[%dma_wait3A_72, %dma_wait3A_73] : memref<100000x128xf32, #tpu.memory_space<hbm>> -> memref<64x128xf32, #tpu.memory_space<hbm>>
    %dma_wait3A_75 = arith.constant 0 : i32
    %dma_wait3A_76 = arith.constant 0 : i32
    %dma_wait3A_77 = tpu.memref_slice %arg2[%dma_wait3A_75, %dma_wait3A_76] : memref<100000x128xf32, #tpu.memory_space<hbm>> -> memref<64x128xf32, #tpu.memory_space<hbm>>
    tpu.wait_dma2 semaphore(%arg18 : memref<!tpu.dma_semaphore, #tpu.memory_space<semaphore_mem>>) src(%dma_wait3A_77 : memref<64x128xf32, #tpu.memory_space<hbm>>) dst(%arg8 : memref<64x128xf32, #tpu.memory_space<vmem>>)
    %add3A_78 = arith.constant 128 : i32
    %add3A_79 = arith.addi %multiple_of3A, %add3A_78 : i32
    %multiple_of3A_80 = tpu.assume_multiple %add3A_79, 8 : i32
    %dma_start3A_81 = arith.constant 0 : i32
    %dma_start3A_82 = tpu.memref_slice %arg4[%multiple_of3A_80, %dma_start3A_81] : memref<204800x128xf32, #tpu.memory_space<hbm>> -> memref<64x128xf32, #tpu.memory_space<hbm>>
    %dma_start3A_83 = arith.constant 0 : i32
    %dma_start3A_84 = tpu.memref_slice %arg4[%multiple_of3A_80, %dma_start3A_83] : memref<204800x128xf32, #tpu.memory_space<hbm>> -> memref<64x128xf32, #tpu.memory_space<hbm>>
    tpu.enqueue_dma source(%arg8 : memref<64x128xf32, #tpu.memory_space<vmem>>) target(%dma_start3A_84 : memref<64x128xf32, #tpu.memory_space<hbm>>) target_semaphore(%arg28 : memref<!tpu.dma_semaphore, #tpu.memory_space<semaphore_mem>>)
    %dma_start3A_85 = arith.constant 576 : i32
    %dma_start3A_86 = tpu.memref_slice %arg5[%dma_start3A_85] : memref<6400xi32, #tpu.memory_space<vmem>> -> memref<64xi32, #tpu.memory_space<vmem>>
    %dma_start3A_87 = arith.constant 0 : i32
    %dma_start3A_88 = arith.constant 0 : i32
    %dma_start3A_89 = tpu.memref_slice %arg2[%dma_start3A_87, %dma_start3A_88] : memref<100000x128xf32, #tpu.memory_space<hbm>> -> memref<100000x128xf32, #tpu.memory_space<hbm>>
    tpu.enqueue_indirect_dma source(%dma_start3A_89 : memref<100000x128xf32, #tpu.memory_space<hbm>>) target(%arg15 : memref<64x128xf32, #tpu.memory_space<vmem>>) offsets(%dma_start3A_86 : memref<64xi32, #tpu.memory_space<vmem>>) semaphore(%arg25 : memref<!tpu.dma_semaphore, #tpu.memory_space<semaphore_mem>>)
    %dma_wait3A_90 = arith.constant 0 : i32
    %dma_wait3A_91 = arith.constant 0 : i32
    %dma_wait3A_92 = tpu.memref_slice %arg2[%dma_wait3A_90, %dma_wait3A_91] : memref<100000x128xf32, #tpu.memory_space<hbm>> -> memref<64x128xf32, #tpu.memory_space<hbm>>
    %dma_wait3A_93 = arith.constant 0 : i32
    %dma_wait3A_94 = arith.constant 0 : i32
    %dma_wait3A_95 = tpu.memref_slice %arg2[%dma_wait3A_93, %dma_wait3A_94] : memref<100000x128xf32, #tpu.memory_space<hbm>> -> memref<64x128xf32, #tpu.memory_space<hbm>>
    tpu.wait_dma2 semaphore(%arg19 : memref<!tpu.dma_semaphore, #tpu.memory_space<semaphore_mem>>) src(%dma_wait3A_95 : memref<64x128xf32, #tpu.memory_space<hbm>>) dst(%arg9 : memref<64x128xf32, #tpu.memory_space<vmem>>)
    %add3A_96 = arith.constant 192 : i32
    %add3A_97 = arith.addi %multiple_of3A, %add3A_96 : i32
    %multiple_of3A_98 = tpu.assume_multiple %add3A_97, 8 : i32
    %dma_start3A_99 = arith.constant 0 : i32
    %dma_start3A_100 = tpu.memref_slice %arg4[%multiple_of3A_98, %dma_start3A_99] : memref<204800x128xf32, #tpu.memory_space<hbm>> -> memref<64x128xf32, #tpu.memory_space<hbm>>
    %dma_start3A_101 = arith.constant 0 : i32
    %dma_start3A_102 = tpu.memref_slice %arg4[%multiple_of3A_98, %dma_start3A_101] : memref<204800x128xf32, #tpu.memory_space<hbm>> -> memref<64x128xf32, #tpu.memory_space<hbm>>
    tpu.enqueue_dma source(%arg9 : memref<64x128xf32, #tpu.memory_space<vmem>>) target(%dma_start3A_102 : memref<64x128xf32, #tpu.memory_space<hbm>>) target_semaphore(%arg29 : memref<!tpu.dma_semaphore, #tpu.memory_space<semaphore_mem>>)
    %scan3A = arith.constant 0 : i32
    %scan3A_103 = arith.constant 0 : i32
    %scan3A_104 = arith.constant 9 : i32
    %scan3A_105 = arith.addi %scan3A_103, %scan3A_104 : i32
    %scan3A_106 = arith.constant 1 : i32
    scf.for %scan3A_246 = %scan3A_103 to %scan3A_105 step %scan3A_106  : i32 {
      %mul3A_247 = arith.constant 10 : i32
      %mul3A_248 = arith.muli %scan3A_246, %mul3A_247 : i32
      %add3A_249 = arith.constant 0 : i32
      %add3A_250 = arith.addi %mul3A_248, %add3A_249 : i32
      %dma_wait3A_251 = arith.constant 0 : i32
      %dma_wait3A_252 = arith.constant 0 : i32
      %dma_wait3A_253 = tpu.memref_slice %arg4[%dma_wait3A_251, %dma_wait3A_252] : memref<204800x128xf32, #tpu.memory_space<hbm>> -> memref<64x128xf32, #tpu.memory_space<hbm>>
      %dma_wait3A_254 = arith.constant 0 : i32
      %dma_wait3A_255 = arith.constant 0 : i32
      %dma_wait3A_256 = tpu.memref_slice %arg4[%dma_wait3A_254, %dma_wait3A_255] : memref<204800x128xf32, #tpu.memory_space<hbm>> -> memref<64x128xf32, #tpu.memory_space<hbm>>
      tpu.wait_dma2 semaphore(%arg26 : memref<!tpu.dma_semaphore, #tpu.memory_space<semaphore_mem>>) src(%arg6 : memref<64x128xf32, #tpu.memory_space<vmem>>) dst(%dma_wait3A_256 : memref<64x128xf32, #tpu.memory_space<hbm>>)
      %add3A_257 = arith.constant 4 : i32
      %add3A_258 = arith.addi %add3A_250, %add3A_257 : i32
      %add3A_259 = arith.constant 6 : i32
      %add3A_260 = arith.addi %add3A_258, %add3A_259 : i32
      %mul3A_261 = arith.constant 64 : i32
      %mul3A_262 = arith.muli %add3A_260, %mul3A_261 : i32
      %dma_start3A_263 = tpu.memref_slice %arg5[%mul3A_262] : memref<6400xi32, #tpu.memory_space<vmem>> -> memref<64xi32, #tpu.memory_space<vmem>>
      %dma_start3A_264 = arith.constant 0 : i32
      %dma_start3A_265 = arith.constant 0 : i32
      %dma_start3A_266 = tpu.memref_slice %arg2[%dma_start3A_264, %dma_start3A_265] : memref<100000x128xf32, #tpu.memory_space<hbm>> -> memref<100000x128xf32, #tpu.memory_space<hbm>>
      tpu.enqueue_indirect_dma source(%dma_start3A_266 : memref<100000x128xf32, #tpu.memory_space<hbm>>) target(%arg6 : memref<64x128xf32, #tpu.memory_space<vmem>>) offsets(%dma_start3A_263 : memref<64xi32, #tpu.memory_space<vmem>>) semaphore(%arg16 : memref<!tpu.dma_semaphore, #tpu.memory_space<semaphore_mem>>)
      %dma_wait3A_267 = arith.constant 0 : i32
      %dma_wait3A_268 = arith.constant 0 : i32
      %dma_wait3A_269 = tpu.memref_slice %arg2[%dma_wait3A_267, %dma_wait3A_268] : memref<100000x128xf32, #tpu.memory_space<hbm>> -> memref<64x128xf32, #tpu.memory_space<hbm>>
      %dma_wait3A_270 = arith.constant 0 : i32
      %dma_wait3A_271 = arith.constant 0 : i32
      %dma_wait3A_272 = tpu.memref_slice %arg2[%dma_wait3A_270, %dma_wait3A_271] : memref<100000x128xf32, #tpu.memory_space<hbm>> -> memref<64x128xf32, #tpu.memory_space<hbm>>
      tpu.wait_dma2 semaphore(%arg20 : memref<!tpu.dma_semaphore, #tpu.memory_space<semaphore_mem>>) src(%dma_wait3A_272 : memref<64x128xf32, #tpu.memory_space<hbm>>) dst(%arg10 : memref<64x128xf32, #tpu.memory_space<vmem>>)
      %add3A_273 = arith.constant 4 : i32
      %add3A_274 = arith.addi %add3A_250, %add3A_273 : i32
      %mul3A_275 = arith.constant 64 : i32
      %mul3A_276 = arith.muli %add3A_274, %mul3A_275 : i32
      %add3A_277 = arith.addi %multiple_of3A, %mul3A_276 : i32
      %multiple_of3A_278 = tpu.assume_multiple %add3A_277, 8 : i32
      %dma_start3A_279 = arith.constant 0 : i32
      %dma_start3A_280 = tpu.memref_slice %arg4[%multiple_of3A_278, %dma_start3A_279] : memref<204800x128xf32, #tpu.memory_space<hbm>> -> memref<64x128xf32, #tpu.memory_space<hbm>>
      %dma_start3A_281 = arith.constant 0 : i32
      %dma_start3A_282 = tpu.memref_slice %arg4[%multiple_of3A_278, %dma_start3A_281] : memref<204800x128xf32, #tpu.memory_space<hbm>> -> memref<64x128xf32, #tpu.memory_space<hbm>>
      tpu.enqueue_dma source(%arg10 : memref<64x128xf32, #tpu.memory_space<vmem>>) target(%dma_start3A_282 : memref<64x128xf32, #tpu.memory_space<hbm>>) target_semaphore(%arg30 : memref<!tpu.dma_semaphore, #tpu.memory_space<semaphore_mem>>)
      %mul3A_283 = arith.constant 10 : i32
      %mul3A_284 = arith.muli %scan3A_246, %mul3A_283 : i32
      %add3A_285 = arith.constant 1 : i32
      %add3A_286 = arith.addi %mul3A_284, %add3A_285 : i32
      %dma_wait3A_287 = arith.constant 0 : i32
      %dma_wait3A_288 = arith.constant 0 : i32
      %dma_wait3A_289 = tpu.memref_slice %arg4[%dma_wait3A_287, %dma_wait3A_288] : memref<204800x128xf32, #tpu.memory_space<hbm>> -> memref<64x128xf32, #tpu.memory_space<hbm>>
      %dma_wait3A_290 = arith.constant 0 : i32
      %dma_wait3A_291 = arith.constant 0 : i32
      %dma_wait3A_292 = tpu.memref_slice %arg4[%dma_wait3A_290, %dma_wait3A_291] : memref<204800x128xf32, #tpu.memory_space<hbm>> -> memref<64x128xf32, #tpu.memory_space<hbm>>
      tpu.wait_dma2 semaphore(%arg27 : memref<!tpu.dma_semaphore, #tpu.memory_space<semaphore_mem>>) src(%arg7 : memref<64x128xf32, #tpu.memory_space<vmem>>) dst(%dma_wait3A_292 : memref<64x128xf32, #tpu.memory_space<hbm>>)
      %add3A_293 = arith.constant 4 : i32
      %add3A_294 = arith.addi %add3A_286, %add3A_293 : i32
      %add3A_295 = arith.constant 6 : i32
      %add3A_296 = arith.addi %add3A_294, %add3A_295 : i32
      %mul3A_297 = arith.constant 64 : i32
      %mul3A_298 = arith.muli %add3A_296, %mul3A_297 : i32
      %dma_start3A_299 = tpu.memref_slice %arg5[%mul3A_298] : memref<6400xi32, #tpu.memory_space<vmem>> -> memref<64xi32, #tpu.memory_space<vmem>>
      %dma_start3A_300 = arith.constant 0 : i32
      %dma_start3A_301 = arith.constant 0 : i32
      %dma_start3A_302 = tpu.memref_slice %arg2[%dma_start3A_300, %dma_start3A_301] : memref<100000x128xf32, #tpu.memory_space<hbm>> -> memref<100000x128xf32, #tpu.memory_space<hbm>>
      tpu.enqueue_indirect_dma source(%dma_start3A_302 : memref<100000x128xf32, #tpu.memory_space<hbm>>) target(%arg7 : memref<64x128xf32, #tpu.memory_space<vmem>>) offsets(%dma_start3A_299 : memref<64xi32, #tpu.memory_space<vmem>>) semaphore(%arg17 : memref<!tpu.dma_semaphore, #tpu.memory_space<semaphore_mem>>)
      %dma_wait3A_303 = arith.constant 0 : i32
      %dma_wait3A_304 = arith.constant 0 : i32
      %dma_wait3A_305 = tpu.memref_slice %arg2[%dma_wait3A_303, %dma_wait3A_304] : memref<100000x128xf32, #tpu.memory_space<hbm>> -> memref<64x128xf32, #tpu.memory_space<hbm>>
      %dma_wait3A_306 = arith.constant 0 : i32
      %dma_wait3A_307 = arith.constant 0 : i32
      %dma_wait3A_308 = tpu.memref_slice %arg2[%dma_wait3A_306, %dma_wait3A_307] : memref<100000x128xf32, #tpu.memory_space<hbm>> -> memref<64x128xf32, #tpu.memory_space<hbm>>
      tpu.wait_dma2 semaphore(%arg21 : memref<!tpu.dma_semaphore, #tpu.memory_space<semaphore_mem>>) src(%dma_wait3A_308 : memref<64x128xf32, #tpu.memory_space<hbm>>) dst(%arg11 : memref<64x128xf32, #tpu.memory_space<vmem>>)
      %add3A_309 = arith.constant 4 : i32
      %add3A_310 = arith.addi %add3A_286, %add3A_309 : i32
      %mul3A_311 = arith.constant 64 : i32
      %mul3A_312 = arith.muli %add3A_310, %mul3A_311 : i32
      %add3A_313 = arith.addi %multiple_of3A, %mul3A_312 : i32
      %multiple_of3A_314 = tpu.assume_multiple %add3A_313, 8 : i32
      %dma_start3A_315 = arith.constant 0 : i32
      %dma_start3A_316 = tpu.memref_slice %arg4[%multiple_of3A_314, %dma_start3A_315] : memref<204800x128xf32, #tpu.memory_space<hbm>> -> memref<64x128xf32, #tpu.memory_space<hbm>>
      %dma_start3A_317 = arith.constant 0 : i32
      %dma_start3A_318 = tpu.memref_slice %arg4[%multiple_of3A_314, %dma_start3A_317] : memref<204800x128xf32, #tpu.memory_space<hbm>> -> memref<64x128xf32, #tpu.memory_space<hbm>>
      tpu.enqueue_dma source(%arg11 : memref<64x128xf32, #tpu.memory_space<vmem>>) target(%dma_start3A_318 : memref<64x128xf32, #tpu.memory_space<hbm>>) target_semaphore(%arg31 : memref<!tpu.dma_semaphore, #tpu.memory_space<semaphore_mem>>)
      %mul3A_319 = arith.constant 10 : i32
      %mul3A_320 = arith.muli %scan3A_246, %mul3A_319 : i32
      %add3A_321 = arith.constant 2 : i32
      %add3A_322 = arith.addi %mul3A_320, %add3A_321 : i32
      %dma_wait3A_323 = arith.constant 0 : i32
      %dma_wait3A_324 = arith.constant 0 : i32
      %dma_wait3A_325 = tpu.memref_slice %arg4[%dma_wait3A_323, %dma_wait3A_324] : memref<204800x128xf32, #tpu.memory_space<hbm>> -> memref<64x128xf32, #tpu.memory_space<hbm>>
      %dma_wait3A_326 = arith.constant 0 : i32
      %dma_wait3A_327 = arith.constant 0 : i32
      %dma_wait3A_328 = tpu.memref_slice %arg4[%dma_wait3A_326, %dma_wait3A_327] : memref<204800x128xf32, #tpu.memory_space<hbm>> -> memref<64x128xf32, #tpu.memory_space<hbm>>
      tpu.wait_dma2 semaphore(%arg28 : memref<!tpu.dma_semaphore, #tpu.memory_space<semaphore_mem>>) src(%arg8 : memref<64x128xf32, #tpu.memory_space<vmem>>) dst(%dma_wait3A_328 : memref<64x128xf32, #tpu.memory_space<hbm>>)
      %add3A_329 = arith.constant 4 : i32
      %add3A_330 = arith.addi %add3A_322, %add3A_329 : i32
      %add3A_331 = arith.constant 6 : i32
      %add3A_332 = arith.addi %add3A_330, %add3A_331 : i32
      %mul3A_333 = arith.constant 64 : i32
      %mul3A_334 = arith.muli %add3A_332, %mul3A_333 : i32
      %dma_start3A_335 = tpu.memref_slice %arg5[%mul3A_334] : memref<6400xi32, #tpu.memory_space<vmem>> -> memref<64xi32, #tpu.memory_space<vmem>>
      %dma_start3A_336 = arith.constant 0 : i32
      %dma_start3A_337 = arith.constant 0 : i32
      %dma_start3A_338 = tpu.memref_slice %arg2[%dma_start3A_336, %dma_start3A_337] : memref<100000x128xf32, #tpu.memory_space<hbm>> -> memref<100000x128xf32, #tpu.memory_space<hbm>>
      tpu.enqueue_indirect_dma source(%dma_start3A_338 : memref<100000x128xf32, #tpu.memory_space<hbm>>) target(%arg8 : memref<64x128xf32, #tpu.memory_space<vmem>>) offsets(%dma_start3A_335 : memref<64xi32, #tpu.memory_space<vmem>>) semaphore(%arg18 : memref<!tpu.dma_semaphore, #tpu.memory_space<semaphore_mem>>)
      %dma_wait3A_339 = arith.constant 0 : i32
      %dma_wait3A_340 = arith.constant 0 : i32
      %dma_wait3A_341 = tpu.memref_slice %arg2[%dma_wait3A_339, %dma_wait3A_340] : memref<100000x128xf32, #tpu.memory_space<hbm>> -> memref<64x128xf32, #tpu.memory_space<hbm>>
      %dma_wait3A_342 = arith.constant 0 : i32
      %dma_wait3A_343 = arith.constant 0 : i32
      %dma_wait3A_344 = tpu.memref_slice %arg2[%dma_wait3A_342, %dma_wait3A_343] : memref<100000x128xf32, #tpu.memory_space<hbm>> -> memref<64x128xf32, #tpu.memory_space<hbm>>
      tpu.wait_dma2 semaphore(%arg22 : memref<!tpu.dma_semaphore, #tpu.memory_space<semaphore_mem>>) src(%dma_wait3A_344 : memref<64x128xf32, #tpu.memory_space<hbm>>) dst(%arg12 : memref<64x128xf32, #tpu.memory_space<vmem>>)
      %add3A_345 = arith.constant 4 : i32
      %add3A_346 = arith.addi %add3A_322, %add3A_345 : i32
      %mul3A_347 = arith.constant 64 : i32
      %mul3A_348 = arith.muli %add3A_346, %mul3A_347 : i32
      %add3A_349 = arith.addi %multiple_of3A, %mul3A_348 : i32
      %multiple_of3A_350 = tpu.assume_multiple %add3A_349, 8 : i32
      %dma_start3A_351 = arith.constant 0 : i32
      %dma_start3A_352 = tpu.memref_slice %arg4[%multiple_of3A_350, %dma_start3A_351] : memref<204800x128xf32, #tpu.memory_space<hbm>> -> memref<64x128xf32, #tpu.memory_space<hbm>>
      %dma_start3A_353 = arith.constant 0 : i32
      %dma_start3A_354 = tpu.memref_slice %arg4[%multiple_of3A_350, %dma_start3A_353] : memref<204800x128xf32, #tpu.memory_space<hbm>> -> memref<64x128xf32, #tpu.memory_space<hbm>>
      tpu.enqueue_dma source(%arg12 : memref<64x128xf32, #tpu.memory_space<vmem>>) target(%dma_start3A_354 : memref<64x128xf32, #tpu.memory_space<hbm>>) target_semaphore(%arg32 : memref<!tpu.dma_semaphore, #tpu.memory_space<semaphore_mem>>)
      %mul3A_355 = arith.constant 10 : i32
      %mul3A_356 = arith.muli %scan3A_246, %mul3A_355 : i32
      %add3A_357 = arith.constant 3 : i32
      %add3A_358 = arith.addi %mul3A_356, %add3A_357 : i32
      %dma_wait3A_359 = arith.constant 0 : i32
      %dma_wait3A_360 = arith.constant 0 : i32
      %dma_wait3A_361 = tpu.memref_slice %arg4[%dma_wait3A_359, %dma_wait3A_360] : memref<204800x128xf32, #tpu.memory_space<hbm>> -> memref<64x128xf32, #tpu.memory_space<hbm>>
      %dma_wait3A_362 = arith.constant 0 : i32
      %dma_wait3A_363 = arith.constant 0 : i32
      %dma_wait3A_364 = tpu.memref_slice %arg4[%dma_wait3A_362, %dma_wait3A_363] : memref<204800x128xf32, #tpu.memory_space<hbm>> -> memref<64x128xf32, #tpu.memory_space<hbm>>
      tpu.wait_dma2 semaphore(%arg29 : memref<!tpu.dma_semaphore, #tpu.memory_space<semaphore_mem>>) src(%arg9 : memref<64x128xf32, #tpu.memory_space<vmem>>) dst(%dma_wait3A_364 : memref<64x128xf32, #tpu.memory_space<hbm>>)
      %add3A_365 = arith.constant 4 : i32
      %add3A_366 = arith.addi %add3A_358, %add3A_365 : i32
      %add3A_367 = arith.constant 6 : i32
      %add3A_368 = arith.addi %add3A_366, %add3A_367 : i32
      %mul3A_369 = arith.constant 64 : i32
      %mul3A_370 = arith.muli %add3A_368, %mul3A_369 : i32
      %dma_start3A_371 = tpu.memref_slice %arg5[%mul3A_370] : memref<6400xi32, #tpu.memory_space<vmem>> -> memref<64xi32, #tpu.memory_space<vmem>>
      %dma_start3A_372 = arith.constant 0 : i32
      %dma_start3A_373 = arith.constant 0 : i32
      %dma_start3A_374 = tpu.memref_slice %arg2[%dma_start3A_372, %dma_start3A_373] : memref<100000x128xf32, #tpu.memory_space<hbm>> -> memref<100000x128xf32, #tpu.memory_space<hbm>>
      tpu.enqueue_indirect_dma source(%dma_start3A_374 : memref<100000x128xf32, #tpu.memory_space<hbm>>) target(%arg9 : memref<64x128xf32, #tpu.memory_space<vmem>>) offsets(%dma_start3A_371 : memref<64xi32, #tpu.memory_space<vmem>>) semaphore(%arg19 : memref<!tpu.dma_semaphore, #tpu.memory_space<semaphore_mem>>)
      %dma_wait3A_375 = arith.constant 0 : i32
      %dma_wait3A_376 = arith.constant 0 : i32
      %dma_wait3A_377 = tpu.memref_slice %arg2[%dma_wait3A_375, %dma_wait3A_376] : memref<100000x128xf32, #tpu.memory_space<hbm>> -> memref<64x128xf32, #tpu.memory_space<hbm>>
      %dma_wait3A_378 = arith.constant 0 : i32
      %dma_wait3A_379 = arith.constant 0 : i32
      %dma_wait3A_380 = tpu.memref_slice %arg2[%dma_wait3A_378, %dma_wait3A_379] : memref<100000x128xf32, #tpu.memory_space<hbm>> -> memref<64x128xf32, #tpu.memory_space<hbm>>
      tpu.wait_dma2 semaphore(%arg23 : memref<!tpu.dma_semaphore, #tpu.memory_space<semaphore_mem>>) src(%dma_wait3A_380 : memref<64x128xf32, #tpu.memory_space<hbm>>) dst(%arg13 : memref<64x128xf32, #tpu.memory_space<vmem>>)
      %add3A_381 = arith.constant 4 : i32
      %add3A_382 = arith.addi %add3A_358, %add3A_381 : i32
      %mul3A_383 = arith.constant 64 : i32
      %mul3A_384 = arith.muli %add3A_382, %mul3A_383 : i32
      %add3A_385 = arith.addi %multiple_of3A, %mul3A_384 : i32
      %multiple_of3A_386 = tpu.assume_multiple %add3A_385, 8 : i32
      %dma_start3A_387 = arith.constant 0 : i32
      %dma_start3A_388 = tpu.memref_slice %arg4[%multiple_of3A_386, %dma_start3A_387] : memref<204800x128xf32, #tpu.memory_space<hbm>> -> memref<64x128xf32, #tpu.memory_space<hbm>>
      %dma_start3A_389 = arith.constant 0 : i32
      %dma_start3A_390 = tpu.memref_slice %arg4[%multiple_of3A_386, %dma_start3A_389] : memref<204800x128xf32, #tpu.memory_space<hbm>> -> memref<64x128xf32, #tpu.memory_space<hbm>>
      tpu.enqueue_dma source(%arg13 : memref<64x128xf32, #tpu.memory_space<vmem>>) target(%dma_start3A_390 : memref<64x128xf32, #tpu.memory_space<hbm>>) target_semaphore(%arg33 : memref<!tpu.dma_semaphore, #tpu.memory_space<semaphore_mem>>)
      %mul3A_391 = arith.constant 10 : i32
      %mul3A_392 = arith.muli %scan3A_246, %mul3A_391 : i32
      %add3A_393 = arith.constant 4 : i32
      %add3A_394 = arith.addi %mul3A_392, %add3A_393 : i32
      %dma_wait3A_395 = arith.constant 0 : i32
      %dma_wait3A_396 = arith.constant 0 : i32
      %dma_wait3A_397 = tpu.memref_slice %arg4[%dma_wait3A_395, %dma_wait3A_396] : memref<204800x128xf32, #tpu.memory_space<hbm>> -> memref<64x128xf32, #tpu.memory_space<hbm>>
      %dma_wait3A_398 = arith.constant 0 : i32
      %dma_wait3A_399 = arith.constant 0 : i32
      %dma_wait3A_400 = tpu.memref_slice %arg4[%dma_wait3A_398, %dma_wait3A_399] : memref<204800x128xf32, #tpu.memory_space<hbm>> -> memref<64x128xf32, #tpu.memory_space<hbm>>
      tpu.wait_dma2 semaphore(%arg30 : memref<!tpu.dma_semaphore, #tpu.memory_space<semaphore_mem>>) src(%arg10 : memref<64x128xf32, #tpu.memory_space<vmem>>) dst(%dma_wait3A_400 : memref<64x128xf32, #tpu.memory_space<hbm>>)
      %add3A_401 = arith.constant 4 : i32
      %add3A_402 = arith.addi %add3A_394, %add3A_401 : i32
      %add3A_403 = arith.constant 6 : i32
      %add3A_404 = arith.addi %add3A_402, %add3A_403 : i32
      %mul3A_405 = arith.constant 64 : i32
      %mul3A_406 = arith.muli %add3A_404, %mul3A_405 : i32
      %dma_start3A_407 = tpu.memref_slice %arg5[%mul3A_406] : memref<6400xi32, #tpu.memory_space<vmem>> -> memref<64xi32, #tpu.memory_space<vmem>>
      %dma_start3A_408 = arith.constant 0 : i32
      %dma_start3A_409 = arith.constant 0 : i32
      %dma_start3A_410 = tpu.memref_slice %arg2[%dma_start3A_408, %dma_start3A_409] : memref<100000x128xf32, #tpu.memory_space<hbm>> -> memref<100000x128xf32, #tpu.memory_space<hbm>>
      tpu.enqueue_indirect_dma source(%dma_start3A_410 : memref<100000x128xf32, #tpu.memory_space<hbm>>) target(%arg10 : memref<64x128xf32, #tpu.memory_space<vmem>>) offsets(%dma_start3A_407 : memref<64xi32, #tpu.memory_space<vmem>>) semaphore(%arg20 : memref<!tpu.dma_semaphore, #tpu.memory_space<semaphore_mem>>)
      %dma_wait3A_411 = arith.constant 0 : i32
      %dma_wait3A_412 = arith.constant 0 : i32
      %dma_wait3A_413 = tpu.memref_slice %arg2[%dma_wait3A_411, %dma_wait3A_412] : memref<100000x128xf32, #tpu.memory_space<hbm>> -> memref<64x128xf32, #tpu.memory_space<hbm>>
      %dma_wait3A_414 = arith.constant 0 : i32
      %dma_wait3A_415 = arith.constant 0 : i32
      %dma_wait3A_416 = tpu.memref_slice %arg2[%dma_wait3A_414, %dma_wait3A_415] : memref<100000x128xf32, #tpu.memory_space<hbm>> -> memref<64x128xf32, #tpu.memory_space<hbm>>
      tpu.wait_dma2 semaphore(%arg24 : memref<!tpu.dma_semaphore, #tpu.memory_space<semaphore_mem>>) src(%dma_wait3A_416 : memref<64x128xf32, #tpu.memory_space<hbm>>) dst(%arg14 : memref<64x128xf32, #tpu.memory_space<vmem>>)
      %add3A_417 = arith.constant 4 : i32
      %add3A_418 = arith.addi %add3A_394, %add3A_417 : i32
      %mul3A_419 = arith.constant 64 : i32
      %mul3A_420 = arith.muli %add3A_418, %mul3A_419 : i32
      %add3A_421 = arith.addi %multiple_of3A, %mul3A_420 : i32
      %multiple_of3A_422 = tpu.assume_multiple %add3A_421, 8 : i32
      %dma_start3A_423 = arith.constant 0 : i32
      %dma_start3A_424 = tpu.memref_slice %arg4[%multiple_of3A_422, %dma_start3A_423] : memref<204800x128xf32, #tpu.memory_space<hbm>> -> memref<64x128xf32, #tpu.memory_space<hbm>>
      %dma_start3A_425 = arith.constant 0 : i32
      %dma_start3A_426 = tpu.memref_slice %arg4[%multiple_of3A_422, %dma_start3A_425] : memref<204800x128xf32, #tpu.memory_space<hbm>> -> memref<64x128xf32, #tpu.memory_space<hbm>>
      tpu.enqueue_dma source(%arg14 : memref<64x128xf32, #tpu.memory_space<vmem>>) target(%dma_start3A_426 : memref<64x128xf32, #tpu.memory_space<hbm>>) target_semaphore(%arg34 : memref<!tpu.dma_semaphore, #tpu.memory_space<semaphore_mem>>)
      %mul3A_427 = arith.constant 10 : i32
      %mul3A_428 = arith.muli %scan3A_246, %mul3A_427 : i32
      %add3A_429 = arith.constant 5 : i32
      %add3A_430 = arith.addi %mul3A_428, %add3A_429 : i32
      %dma_wait3A_431 = arith.constant 0 : i32
      %dma_wait3A_432 = arith.constant 0 : i32
      %dma_wait3A_433 = tpu.memref_slice %arg4[%dma_wait3A_431, %dma_wait3A_432] : memref<204800x128xf32, #tpu.memory_space<hbm>> -> memref<64x128xf32, #tpu.memory_space<hbm>>
      %dma_wait3A_434 = arith.constant 0 : i32
      %dma_wait3A_435 = arith.constant 0 : i32
      %dma_wait3A_436 = tpu.memref_slice %arg4[%dma_wait3A_434, %dma_wait3A_435] : memref<204800x128xf32, #tpu.memory_space<hbm>> -> memref<64x128xf32, #tpu.memory_space<hbm>>
      tpu.wait_dma2 semaphore(%arg31 : memref<!tpu.dma_semaphore, #tpu.memory_space<semaphore_mem>>) src(%arg11 : memref<64x128xf32, #tpu.memory_space<vmem>>) dst(%dma_wait3A_436 : memref<64x128xf32, #tpu.memory_space<hbm>>)
      %add3A_437 = arith.constant 4 : i32
      %add3A_438 = arith.addi %add3A_430, %add3A_437 : i32
      %add3A_439 = arith.constant 6 : i32
      %add3A_440 = arith.addi %add3A_438, %add3A_439 : i32
      %mul3A_441 = arith.constant 64 : i32
      %mul3A_442 = arith.muli %add3A_440, %mul3A_441 : i32
      %dma_start3A_443 = tpu.memref_slice %arg5[%mul3A_442] : memref<6400xi32, #tpu.memory_space<vmem>> -> memref<64xi32, #tpu.memory_space<vmem>>
      %dma_start3A_444 = arith.constant 0 : i32
      %dma_start3A_445 = arith.constant 0 : i32
      %dma_start3A_446 = tpu.memref_slice %arg2[%dma_start3A_444, %dma_start3A_445] : memref<100000x128xf32, #tpu.memory_space<hbm>> -> memref<100000x128xf32, #tpu.memory_space<hbm>>
      tpu.enqueue_indirect_dma source(%dma_start3A_446 : memref<100000x128xf32, #tpu.memory_space<hbm>>) target(%arg11 : memref<64x128xf32, #tpu.memory_space<vmem>>) offsets(%dma_start3A_443 : memref<64xi32, #tpu.memory_space<vmem>>) semaphore(%arg21 : memref<!tpu.dma_semaphore, #tpu.memory_space<semaphore_mem>>)
      %dma_wait3A_447 = arith.constant 0 : i32
      %dma_wait3A_448 = arith.constant 0 : i32
      %dma_wait3A_449 = tpu.memref_slice %arg2[%dma_wait3A_447, %dma_wait3A_448] : memref<100000x128xf32, #tpu.memory_space<hbm>> -> memref<64x128xf32, #tpu.memory_space<hbm>>
      %dma_wait3A_450 = arith.constant 0 : i32
      %dma_wait3A_451 = arith.constant 0 : i32
      %dma_wait3A_452 = tpu.memref_slice %arg2[%dma_wait3A_450, %dma_wait3A_451] : memref<100000x128xf32, #tpu.memory_space<hbm>> -> memref<64x128xf32, #tpu.memory_space<hbm>>
      tpu.wait_dma2 semaphore(%arg25 : memref<!tpu.dma_semaphore, #tpu.memory_space<semaphore_mem>>) src(%dma_wait3A_452 : memref<64x128xf32, #tpu.memory_space<hbm>>) dst(%arg15 : memref<64x128xf32, #tpu.memory_space<vmem>>)
      %add3A_453 = arith.constant 4 : i32
      %add3A_454 = arith.addi %add3A_430, %add3A_453 : i32
      %mul3A_455 = arith.constant 64 : i32
      %mul3A_456 = arith.muli %add3A_454, %mul3A_455 : i32
      %add3A_457 = arith.addi %multiple_of3A, %mul3A_456 : i32
      %multiple_of3A_458 = tpu.assume_multiple %add3A_457, 8 : i32
      %dma_start3A_459 = arith.constant 0 : i32
      %dma_start3A_460 = tpu.memref_slice %arg4[%multiple_of3A_458, %dma_start3A_459] : memref<204800x128xf32, #tpu.memory_space<hbm>> -> memref<64x128xf32, #tpu.memory_space<hbm>>
      %dma_start3A_461 = arith.constant 0 : i32
      %dma_start3A_462 = tpu.memref_slice %arg4[%multiple_of3A_458, %dma_start3A_461] : memref<204800x128xf32, #tpu.memory_space<hbm>> -> memref<64x128xf32, #tpu.memory_space<hbm>>
      tpu.enqueue_dma source(%arg15 : memref<64x128xf32, #tpu.memory_space<vmem>>) target(%dma_start3A_462 : memref<64x128xf32, #tpu.memory_space<hbm>>) target_semaphore(%arg35 : memref<!tpu.dma_semaphore, #tpu.memory_space<semaphore_mem>>)
      %mul3A_463 = arith.constant 10 : i32
      %mul3A_464 = arith.muli %scan3A_246, %mul3A_463 : i32
      %add3A_465 = arith.constant 6 : i32
      %add3A_466 = arith.addi %mul3A_464, %add3A_465 : i32
      %dma_wait3A_467 = arith.constant 0 : i32
      %dma_wait3A_468 = arith.constant 0 : i32
      %dma_wait3A_469 = tpu.memref_slice %arg4[%dma_wait3A_467, %dma_wait3A_468] : memref<204800x128xf32, #tpu.memory_space<hbm>> -> memref<64x128xf32, #tpu.memory_space<hbm>>
      %dma_wait3A_470 = arith.constant 0 : i32
      %dma_wait3A_471 = arith.constant 0 : i32
      %dma_wait3A_472 = tpu.memref_slice %arg4[%dma_wait3A_470, %dma_wait3A_471] : memref<204800x128xf32, #tpu.memory_space<hbm>> -> memref<64x128xf32, #tpu.memory_space<hbm>>
      tpu.wait_dma2 semaphore(%arg32 : memref<!tpu.dma_semaphore, #tpu.memory_space<semaphore_mem>>) src(%arg12 : memref<64x128xf32, #tpu.memory_space<vmem>>) dst(%dma_wait3A_472 : memref<64x128xf32, #tpu.memory_space<hbm>>)
      %add3A_473 = arith.constant 4 : i32
      %add3A_474 = arith.addi %add3A_466, %add3A_473 : i32
      %add3A_475 = arith.constant 6 : i32
      %add3A_476 = arith.addi %add3A_474, %add3A_475 : i32
      %mul3A_477 = arith.constant 64 : i32
      %mul3A_478 = arith.muli %add3A_476, %mul3A_477 : i32
      %dma_start3A_479 = tpu.memref_slice %arg5[%mul3A_478] : memref<6400xi32, #tpu.memory_space<vmem>> -> memref<64xi32, #tpu.memory_space<vmem>>
      %dma_start3A_480 = arith.constant 0 : i32
      %dma_start3A_481 = arith.constant 0 : i32
      %dma_start3A_482 = tpu.memref_slice %arg2[%dma_start3A_480, %dma_start3A_481] : memref<100000x128xf32, #tpu.memory_space<hbm>> -> memref<100000x128xf32, #tpu.memory_space<hbm>>
      tpu.enqueue_indirect_dma source(%dma_start3A_482 : memref<100000x128xf32, #tpu.memory_space<hbm>>) target(%arg12 : memref<64x128xf32, #tpu.memory_space<vmem>>) offsets(%dma_start3A_479 : memref<64xi32, #tpu.memory_space<vmem>>) semaphore(%arg22 : memref<!tpu.dma_semaphore, #tpu.memory_space<semaphore_mem>>)
      %dma_wait3A_483 = arith.constant 0 : i32
      %dma_wait3A_484 = arith.constant 0 : i32
      %dma_wait3A_485 = tpu.memref_slice %arg2[%dma_wait3A_483, %dma_wait3A_484] : memref<100000x128xf32, #tpu.memory_space<hbm>> -> memref<64x128xf32, #tpu.memory_space<hbm>>
      %dma_wait3A_486 = arith.constant 0 : i32
      %dma_wait3A_487 = arith.constant 0 : i32
      %dma_wait3A_488 = tpu.memref_slice %arg2[%dma_wait3A_486, %dma_wait3A_487] : memref<100000x128xf32, #tpu.memory_space<hbm>> -> memref<64x128xf32, #tpu.memory_space<hbm>>
      tpu.wait_dma2 semaphore(%arg16 : memref<!tpu.dma_semaphore, #tpu.memory_space<semaphore_mem>>) src(%dma_wait3A_488 : memref<64x128xf32, #tpu.memory_space<hbm>>) dst(%arg6 : memref<64x128xf32, #tpu.memory_space<vmem>>)
      %add3A_489 = arith.constant 4 : i32
      %add3A_490 = arith.addi %add3A_466, %add3A_489 : i32
      %mul3A_491 = arith.constant 64 : i32
      %mul3A_492 = arith.muli %add3A_490, %mul3A_491 : i32
      %add3A_493 = arith.addi %multiple_of3A, %mul3A_492 : i32
      %multiple_of3A_494 = tpu.assume_multiple %add3A_493, 8 : i32
      %dma_start3A_495 = arith.constant 0 : i32
      %dma_start3A_496 = tpu.memref_slice %arg4[%multiple_of3A_494, %dma_start3A_495] : memref<204800x128xf32, #tpu.memory_space<hbm>> -> memref<64x128xf32, #tpu.memory_space<hbm>>
      %dma_start3A_497 = arith.constant 0 : i32
      %dma_start3A_498 = tpu.memref_slice %arg4[%multiple_of3A_494, %dma_start3A_497] : memref<204800x128xf32, #tpu.memory_space<hbm>> -> memref<64x128xf32, #tpu.memory_space<hbm>>
      tpu.enqueue_dma source(%arg6 : memref<64x128xf32, #tpu.memory_space<vmem>>) target(%dma_start3A_498 : memref<64x128xf32, #tpu.memory_space<hbm>>) target_semaphore(%arg26 : memref<!tpu.dma_semaphore, #tpu.memory_space<semaphore_mem>>)
      %mul3A_499 = arith.constant 10 : i32
      %mul3A_500 = arith.muli %scan3A_246, %mul3A_499 : i32
      %add3A_501 = arith.constant 7 : i32
      %add3A_502 = arith.addi %mul3A_500, %add3A_501 : i32
      %dma_wait3A_503 = arith.constant 0 : i32
      %dma_wait3A_504 = arith.constant 0 : i32
      %dma_wait3A_505 = tpu.memref_slice %arg4[%dma_wait3A_503, %dma_wait3A_504] : memref<204800x128xf32, #tpu.memory_space<hbm>> -> memref<64x128xf32, #tpu.memory_space<hbm>>
      %dma_wait3A_506 = arith.constant 0 : i32
      %dma_wait3A_507 = arith.constant 0 : i32
      %dma_wait3A_508 = tpu.memref_slice %arg4[%dma_wait3A_506, %dma_wait3A_507] : memref<204800x128xf32, #tpu.memory_space<hbm>> -> memref<64x128xf32, #tpu.memory_space<hbm>>
      tpu.wait_dma2 semaphore(%arg33 : memref<!tpu.dma_semaphore, #tpu.memory_space<semaphore_mem>>) src(%arg13 : memref<64x128xf32, #tpu.memory_space<vmem>>) dst(%dma_wait3A_508 : memref<64x128xf32, #tpu.memory_space<hbm>>)
      %add3A_509 = arith.constant 4 : i32
      %add3A_510 = arith.addi %add3A_502, %add3A_509 : i32
      %add3A_511 = arith.constant 6 : i32
      %add3A_512 = arith.addi %add3A_510, %add3A_511 : i32
      %mul3A_513 = arith.constant 64 : i32
      %mul3A_514 = arith.muli %add3A_512, %mul3A_513 : i32
      %dma_start3A_515 = tpu.memref_slice %arg5[%mul3A_514] : memref<6400xi32, #tpu.memory_space<vmem>> -> memref<64xi32, #tpu.memory_space<vmem>>
      %dma_start3A_516 = arith.constant 0 : i32
      %dma_start3A_517 = arith.constant 0 : i32
      %dma_start3A_518 = tpu.memref_slice %arg2[%dma_start3A_516, %dma_start3A_517] : memref<100000x128xf32, #tpu.memory_space<hbm>> -> memref<100000x128xf32, #tpu.memory_space<hbm>>
      tpu.enqueue_indirect_dma source(%dma_start3A_518 : memref<100000x128xf32, #tpu.memory_space<hbm>>) target(%arg13 : memref<64x128xf32, #tpu.memory_space<vmem>>) offsets(%dma_start3A_515 : memref<64xi32, #tpu.memory_space<vmem>>) semaphore(%arg23 : memref<!tpu.dma_semaphore, #tpu.memory_space<semaphore_mem>>)
      %dma_wait3A_519 = arith.constant 0 : i32
      %dma_wait3A_520 = arith.constant 0 : i32
      %dma_wait3A_521 = tpu.memref_slice %arg2[%dma_wait3A_519, %dma_wait3A_520] : memref<100000x128xf32, #tpu.memory_space<hbm>> -> memref<64x128xf32, #tpu.memory_space<hbm>>
      %dma_wait3A_522 = arith.constant 0 : i32
      %dma_wait3A_523 = arith.constant 0 : i32
      %dma_wait3A_524 = tpu.memref_slice %arg2[%dma_wait3A_522, %dma_wait3A_523] : memref<100000x128xf32, #tpu.memory_space<hbm>> -> memref<64x128xf32, #tpu.memory_space<hbm>>
      tpu.wait_dma2 semaphore(%arg17 : memref<!tpu.dma_semaphore, #tpu.memory_space<semaphore_mem>>) src(%dma_wait3A_524 : memref<64x128xf32, #tpu.memory_space<hbm>>) dst(%arg7 : memref<64x128xf32, #tpu.memory_space<vmem>>)
      %add3A_525 = arith.constant 4 : i32
      %add3A_526 = arith.addi %add3A_502, %add3A_525 : i32
      %mul3A_527 = arith.constant 64 : i32
      %mul3A_528 = arith.muli %add3A_526, %mul3A_527 : i32
      %add3A_529 = arith.addi %multiple_of3A, %mul3A_528 : i32
      %multiple_of3A_530 = tpu.assume_multiple %add3A_529, 8 : i32
      %dma_start3A_531 = arith.constant 0 : i32
      %dma_start3A_532 = tpu.memref_slice %arg4[%multiple_of3A_530, %dma_start3A_531] : memref<204800x128xf32, #tpu.memory_space<hbm>> -> memref<64x128xf32, #tpu.memory_space<hbm>>
      %dma_start3A_533 = arith.constant 0 : i32
      %dma_start3A_534 = tpu.memref_slice %arg4[%multiple_of3A_530, %dma_start3A_533] : memref<204800x128xf32, #tpu.memory_space<hbm>> -> memref<64x128xf32, #tpu.memory_space<hbm>>
      tpu.enqueue_dma source(%arg7 : memref<64x128xf32, #tpu.memory_space<vmem>>) target(%dma_start3A_534 : memref<64x128xf32, #tpu.memory_space<hbm>>) target_semaphore(%arg27 : memref<!tpu.dma_semaphore, #tpu.memory_space<semaphore_mem>>)
      %mul3A_535 = arith.constant 10 : i32
      %mul3A_536 = arith.muli %scan3A_246, %mul3A_535 : i32
      %add3A_537 = arith.constant 8 : i32
      %add3A_538 = arith.addi %mul3A_536, %add3A_537 : i32
      %dma_wait3A_539 = arith.constant 0 : i32
      %dma_wait3A_540 = arith.constant 0 : i32
      %dma_wait3A_541 = tpu.memref_slice %arg4[%dma_wait3A_539, %dma_wait3A_540] : memref<204800x128xf32, #tpu.memory_space<hbm>> -> memref<64x128xf32, #tpu.memory_space<hbm>>
      %dma_wait3A_542 = arith.constant 0 : i32
      %dma_wait3A_543 = arith.constant 0 : i32
      %dma_wait3A_544 = tpu.memref_slice %arg4[%dma_wait3A_542, %dma_wait3A_543] : memref<204800x128xf32, #tpu.memory_space<hbm>> -> memref<64x128xf32, #tpu.memory_space<hbm>>
      tpu.wait_dma2 semaphore(%arg34 : memref<!tpu.dma_semaphore, #tpu.memory_space<semaphore_mem>>) src(%arg14 : memref<64x128xf32, #tpu.memory_space<vmem>>) dst(%dma_wait3A_544 : memref<64x128xf32, #tpu.memory_space<hbm>>)
      %add3A_545 = arith.constant 4 : i32
      %add3A_546 = arith.addi %add3A_538, %add3A_545 : i32
      %add3A_547 = arith.constant 6 : i32
      %add3A_548 = arith.addi %add3A_546, %add3A_547 : i32
      %mul3A_549 = arith.constant 64 : i32
      %mul3A_550 = arith.muli %add3A_548, %mul3A_549 : i32
      %dma_start3A_551 = tpu.memref_slice %arg5[%mul3A_550] : memref<6400xi32, #tpu.memory_space<vmem>> -> memref<64xi32, #tpu.memory_space<vmem>>
      %dma_start3A_552 = arith.constant 0 : i32
      %dma_start3A_553 = arith.constant 0 : i32
      %dma_start3A_554 = tpu.memref_slice %arg2[%dma_start3A_552, %dma_start3A_553] : memref<100000x128xf32, #tpu.memory_space<hbm>> -> memref<100000x128xf32, #tpu.memory_space<hbm>>
      tpu.enqueue_indirect_dma source(%dma_start3A_554 : memref<100000x128xf32, #tpu.memory_space<hbm>>) target(%arg14 : memref<64x128xf32, #tpu.memory_space<vmem>>) offsets(%dma_start3A_551 : memref<64xi32, #tpu.memory_space<vmem>>) semaphore(%arg24 : memref<!tpu.dma_semaphore, #tpu.memory_space<semaphore_mem>>)
      %dma_wait3A_555 = arith.constant 0 : i32
      %dma_wait3A_556 = arith.constant 0 : i32
      %dma_wait3A_557 = tpu.memref_slice %arg2[%dma_wait3A_555, %dma_wait3A_556] : memref<100000x128xf32, #tpu.memory_space<hbm>> -> memref<64x128xf32, #tpu.memory_space<hbm>>
      %dma_wait3A_558 = arith.constant 0 : i32
      %dma_wait3A_559 = arith.constant 0 : i32
      %dma_wait3A_560 = tpu.memref_slice %arg2[%dma_wait3A_558, %dma_wait3A_559] : memref<100000x128xf32, #tpu.memory_space<hbm>> -> memref<64x128xf32, #tpu.memory_space<hbm>>
      tpu.wait_dma2 semaphore(%arg18 : memref<!tpu.dma_semaphore, #tpu.memory_space<semaphore_mem>>) src(%dma_wait3A_560 : memref<64x128xf32, #tpu.memory_space<hbm>>) dst(%arg8 : memref<64x128xf32, #tpu.memory_space<vmem>>)
      %add3A_561 = arith.constant 4 : i32
      %add3A_562 = arith.addi %add3A_538, %add3A_561 : i32
      %mul3A_563 = arith.constant 64 : i32
      %mul3A_564 = arith.muli %add3A_562, %mul3A_563 : i32
      %add3A_565 = arith.addi %multiple_of3A, %mul3A_564 : i32
      %multiple_of3A_566 = tpu.assume_multiple %add3A_565, 8 : i32
      %dma_start3A_567 = arith.constant 0 : i32
      %dma_start3A_568 = tpu.memref_slice %arg4[%multiple_of3A_566, %dma_start3A_567] : memref<204800x128xf32, #tpu.memory_space<hbm>> -> memref<64x128xf32, #tpu.memory_space<hbm>>
      %dma_start3A_569 = arith.constant 0 : i32
      %dma_start3A_570 = tpu.memref_slice %arg4[%multiple_of3A_566, %dma_start3A_569] : memref<204800x128xf32, #tpu.memory_space<hbm>> -> memref<64x128xf32, #tpu.memory_space<hbm>>
      tpu.enqueue_dma source(%arg8 : memref<64x128xf32, #tpu.memory_space<vmem>>) target(%dma_start3A_570 : memref<64x128xf32, #tpu.memory_space<hbm>>) target_semaphore(%arg28 : memref<!tpu.dma_semaphore, #tpu.memory_space<semaphore_mem>>)
      %mul3A_571 = arith.constant 10 : i32
      %mul3A_572 = arith.muli %scan3A_246, %mul3A_571 : i32
      %add3A_573 = arith.constant 9 : i32
      %add3A_574 = arith.addi %mul3A_572, %add3A_573 : i32
      %dma_wait3A_575 = arith.constant 0 : i32
      %dma_wait3A_576 = arith.constant 0 : i32
      %dma_wait3A_577 = tpu.memref_slice %arg4[%dma_wait3A_575, %dma_wait3A_576] : memref<204800x128xf32, #tpu.memory_space<hbm>> -> memref<64x128xf32, #tpu.memory_space<hbm>>
      %dma_wait3A_578 = arith.constant 0 : i32
      %dma_wait3A_579 = arith.constant 0 : i32
      %dma_wait3A_580 = tpu.memref_slice %arg4[%dma_wait3A_578, %dma_wait3A_579] : memref<204800x128xf32, #tpu.memory_space<hbm>> -> memref<64x128xf32, #tpu.memory_space<hbm>>
      tpu.wait_dma2 semaphore(%arg35 : memref<!tpu.dma_semaphore, #tpu.memory_space<semaphore_mem>>) src(%arg15 : memref<64x128xf32, #tpu.memory_space<vmem>>) dst(%dma_wait3A_580 : memref<64x128xf32, #tpu.memory_space<hbm>>)
      %add3A_581 = arith.constant 4 : i32
      %add3A_582 = arith.addi %add3A_574, %add3A_581 : i32
      %add3A_583 = arith.constant 6 : i32
      %add3A_584 = arith.addi %add3A_582, %add3A_583 : i32
      %mul3A_585 = arith.constant 64 : i32
      %mul3A_586 = arith.muli %add3A_584, %mul3A_585 : i32
      %dma_start3A_587 = tpu.memref_slice %arg5[%mul3A_586] : memref<6400xi32, #tpu.memory_space<vmem>> -> memref<64xi32, #tpu.memory_space<vmem>>
      %dma_start3A_588 = arith.constant 0 : i32
      %dma_start3A_589 = arith.constant 0 : i32
      %dma_start3A_590 = tpu.memref_slice %arg2[%dma_start3A_588, %dma_start3A_589] : memref<100000x128xf32, #tpu.memory_space<hbm>> -> memref<100000x128xf32, #tpu.memory_space<hbm>>
      tpu.enqueue_indirect_dma source(%dma_start3A_590 : memref<100000x128xf32, #tpu.memory_space<hbm>>) target(%arg15 : memref<64x128xf32, #tpu.memory_space<vmem>>) offsets(%dma_start3A_587 : memref<64xi32, #tpu.memory_space<vmem>>) semaphore(%arg25 : memref<!tpu.dma_semaphore, #tpu.memory_space<semaphore_mem>>)
      %dma_wait3A_591 = arith.constant 0 : i32
      %dma_wait3A_592 = arith.constant 0 : i32
      %dma_wait3A_593 = tpu.memref_slice %arg2[%dma_wait3A_591, %dma_wait3A_592] : memref<100000x128xf32, #tpu.memory_space<hbm>> -> memref<64x128xf32, #tpu.memory_space<hbm>>
      %dma_wait3A_594 = arith.constant 0 : i32
      %dma_wait3A_595 = arith.constant 0 : i32
      %dma_wait3A_596 = tpu.memref_slice %arg2[%dma_wait3A_594, %dma_wait3A_595] : memref<100000x128xf32, #tpu.memory_space<hbm>> -> memref<64x128xf32, #tpu.memory_space<hbm>>
      tpu.wait_dma2 semaphore(%arg19 : memref<!tpu.dma_semaphore, #tpu.memory_space<semaphore_mem>>) src(%dma_wait3A_596 : memref<64x128xf32, #tpu.memory_space<hbm>>) dst(%arg9 : memref<64x128xf32, #tpu.memory_space<vmem>>)
      %add3A_597 = arith.constant 4 : i32
      %add3A_598 = arith.addi %add3A_574, %add3A_597 : i32
      %mul3A_599 = arith.constant 64 : i32
      %mul3A_600 = arith.muli %add3A_598, %mul3A_599 : i32
      %add3A_601 = arith.addi %multiple_of3A, %mul3A_600 : i32
      %multiple_of3A_602 = tpu.assume_multiple %add3A_601, 8 : i32
      %dma_start3A_603 = arith.constant 0 : i32
      %dma_start3A_604 = tpu.memref_slice %arg4[%multiple_of3A_602, %dma_start3A_603] : memref<204800x128xf32, #tpu.memory_space<hbm>> -> memref<64x128xf32, #tpu.memory_space<hbm>>
      %dma_start3A_605 = arith.constant 0 : i32
      %dma_start3A_606 = tpu.memref_slice %arg4[%multiple_of3A_602, %dma_start3A_605] : memref<204800x128xf32, #tpu.memory_space<hbm>> -> memref<64x128xf32, #tpu.memory_space<hbm>>
      tpu.enqueue_dma source(%arg9 : memref<64x128xf32, #tpu.memory_space<vmem>>) target(%dma_start3A_606 : memref<64x128xf32, #tpu.memory_space<hbm>>) target_semaphore(%arg29 : memref<!tpu.dma_semaphore, #tpu.memory_space<semaphore_mem>>)
    }
    %scan3A_107 = arith.constant 9 : i32
    %dma_wait3A_108 = arith.constant 0 : i32
    %dma_wait3A_109 = arith.constant 0 : i32
    %dma_wait3A_110 = tpu.memref_slice %arg2[%dma_wait3A_108, %dma_wait3A_109] : memref<100000x128xf32, #tpu.memory_space<hbm>> -> memref<64x128xf32, #tpu.memory_space<hbm>>
    %dma_wait3A_111 = arith.constant 0 : i32
    %dma_wait3A_112 = arith.constant 0 : i32
    %dma_wait3A_113 = tpu.memref_slice %arg2[%dma_wait3A_111, %dma_wait3A_112] : memref<100000x128xf32, #tpu.memory_space<hbm>> -> memref<64x128xf32, #tpu.memory_space<hbm>>
    tpu.wait_dma2 semaphore(%arg20 : memref<!tpu.dma_semaphore, #tpu.memory_space<semaphore_mem>>) src(%dma_wait3A_113 : memref<64x128xf32, #tpu.memory_space<hbm>>) dst(%arg10 : memref<64x128xf32, #tpu.memory_space<vmem>>)
    %add3A_114 = arith.constant 6016 : i32
    %add3A_115 = arith.addi %multiple_of3A, %add3A_114 : i32
    %multiple_of3A_116 = tpu.assume_multiple %add3A_115, 8 : i32
    %dma_start3A_117 = arith.constant 0 : i32
    %dma_start3A_118 = tpu.memref_slice %arg4[%multiple_of3A_116, %dma_start3A_117] : memref<204800x128xf32, #tpu.memory_space<hbm>> -> memref<64x128xf32, #tpu.memory_space<hbm>>
    %dma_start3A_119 = arith.constant 0 : i32
    %dma_start3A_120 = tpu.memref_slice %arg4[%multiple_of3A_116, %dma_start3A_119] : memref<204800x128xf32, #tpu.memory_space<hbm>> -> memref<64x128xf32, #tpu.memory_space<hbm>>
    tpu.enqueue_dma source(%arg10 : memref<64x128xf32, #tpu.memory_space<vmem>>) target(%dma_start3A_120 : memref<64x128xf32, #tpu.memory_space<hbm>>) target_semaphore(%arg30 : memref<!tpu.dma_semaphore, #tpu.memory_space<semaphore_mem>>)
    %dma_wait3A_121 = arith.constant 0 : i32
    %dma_wait3A_122 = arith.constant 0 : i32
    %dma_wait3A_123 = tpu.memref_slice %arg2[%dma_wait3A_121, %dma_wait3A_122] : memref<100000x128xf32, #tpu.memory_space<hbm>> -> memref<64x128xf32, #tpu.memory_space<hbm>>
    %dma_wait3A_124 = arith.constant 0 : i32
    %dma_wait3A_125 = arith.constant 0 : i32
    %dma_wait3A_126 = tpu.memref_slice %arg2[%dma_wait3A_124, %dma_wait3A_125] : memref<100000x128xf32, #tpu.memory_space<hbm>> -> memref<64x128xf32, #tpu.memory_space<hbm>>
    tpu.wait_dma2 semaphore(%arg21 : memref<!tpu.dma_semaphore, #tpu.memory_space<semaphore_mem>>) src(%dma_wait3A_126 : memref<64x128xf32, #tpu.memory_space<hbm>>) dst(%arg11 : memref<64x128xf32, #tpu.memory_space<vmem>>)
    %add3A_127 = arith.constant 6080 : i32
    %add3A_128 = arith.addi %multiple_of3A, %add3A_127 : i32
    %multiple_of3A_129 = tpu.assume_multiple %add3A_128, 8 : i32
    %dma_start3A_130 = arith.constant 0 : i32
    %dma_start3A_131 = tpu.memref_slice %arg4[%multiple_of3A_129, %dma_start3A_130] : memref<204800x128xf32, #tpu.memory_space<hbm>> -> memref<64x128xf32, #tpu.memory_space<hbm>>
    %dma_start3A_132 = arith.constant 0 : i32
    %dma_start3A_133 = tpu.memref_slice %arg4[%multiple_of3A_129, %dma_start3A_132] : memref<204800x128xf32, #tpu.memory_space<hbm>> -> memref<64x128xf32, #tpu.memory_space<hbm>>
    tpu.enqueue_dma source(%arg11 : memref<64x128xf32, #tpu.memory_space<vmem>>) target(%dma_start3A_133 : memref<64x128xf32, #tpu.memory_space<hbm>>) target_semaphore(%arg31 : memref<!tpu.dma_semaphore, #tpu.memory_space<semaphore_mem>>)
    %dma_wait3A_134 = arith.constant 0 : i32
    %dma_wait3A_135 = arith.constant 0 : i32
    %dma_wait3A_136 = tpu.memref_slice %arg2[%dma_wait3A_134, %dma_wait3A_135] : memref<100000x128xf32, #tpu.memory_space<hbm>> -> memref<64x128xf32, #tpu.memory_space<hbm>>
    %dma_wait3A_137 = arith.constant 0 : i32
    %dma_wait3A_138 = arith.constant 0 : i32
    %dma_wait3A_139 = tpu.memref_slice %arg2[%dma_wait3A_137, %dma_wait3A_138] : memref<100000x128xf32, #tpu.memory_space<hbm>> -> memref<64x128xf32, #tpu.memory_space<hbm>>
    tpu.wait_dma2 semaphore(%arg22 : memref<!tpu.dma_semaphore, #tpu.memory_space<semaphore_mem>>) src(%dma_wait3A_139 : memref<64x128xf32, #tpu.memory_space<hbm>>) dst(%arg12 : memref<64x128xf32, #tpu.memory_space<vmem>>)
    %add3A_140 = arith.constant 6144 : i32
    %add3A_141 = arith.addi %multiple_of3A, %add3A_140 : i32
    %multiple_of3A_142 = tpu.assume_multiple %add3A_141, 8 : i32
    %dma_start3A_143 = arith.constant 0 : i32
    %dma_start3A_144 = tpu.memref_slice %arg4[%multiple_of3A_142, %dma_start3A_143] : memref<204800x128xf32, #tpu.memory_space<hbm>> -> memref<64x128xf32, #tpu.memory_space<hbm>>
    %dma_start3A_145 = arith.constant 0 : i32
    %dma_start3A_146 = tpu.memref_slice %arg4[%multiple_of3A_142, %dma_start3A_145] : memref<204800x128xf32, #tpu.memory_space<hbm>> -> memref<64x128xf32, #tpu.memory_space<hbm>>
    tpu.enqueue_dma source(%arg12 : memref<64x128xf32, #tpu.memory_space<vmem>>) target(%dma_start3A_146 : memref<64x128xf32, #tpu.memory_space<hbm>>) target_semaphore(%arg32 : memref<!tpu.dma_semaphore, #tpu.memory_space<semaphore_mem>>)
    %dma_wait3A_147 = arith.constant 0 : i32
    %dma_wait3A_148 = arith.constant 0 : i32
    %dma_wait3A_149 = tpu.memref_slice %arg2[%dma_wait3A_147, %dma_wait3A_148] : memref<100000x128xf32, #tpu.memory_space<hbm>> -> memref<64x128xf32, #tpu.memory_space<hbm>>
    %dma_wait3A_150 = arith.constant 0 : i32
    %dma_wait3A_151 = arith.constant 0 : i32
    %dma_wait3A_152 = tpu.memref_slice %arg2[%dma_wait3A_150, %dma_wait3A_151] : memref<100000x128xf32, #tpu.memory_space<hbm>> -> memref<64x128xf32, #tpu.memory_space<hbm>>
    tpu.wait_dma2 semaphore(%arg23 : memref<!tpu.dma_semaphore, #tpu.memory_space<semaphore_mem>>) src(%dma_wait3A_152 : memref<64x128xf32, #tpu.memory_space<hbm>>) dst(%arg13 : memref<64x128xf32, #tpu.memory_space<vmem>>)
    %add3A_153 = arith.constant 6208 : i32
    %add3A_154 = arith.addi %multiple_of3A, %add3A_153 : i32
    %multiple_of3A_155 = tpu.assume_multiple %add3A_154, 8 : i32
    %dma_start3A_156 = arith.constant 0 : i32
    %dma_start3A_157 = tpu.memref_slice %arg4[%multiple_of3A_155, %dma_start3A_156] : memref<204800x128xf32, #tpu.memory_space<hbm>> -> memref<64x128xf32, #tpu.memory_space<hbm>>
    %dma_start3A_158 = arith.constant 0 : i32
    %dma_start3A_159 = tpu.memref_slice %arg4[%multiple_of3A_155, %dma_start3A_158] : memref<204800x128xf32, #tpu.memory_space<hbm>> -> memref<64x128xf32, #tpu.memory_space<hbm>>
    tpu.enqueue_dma source(%arg13 : memref<64x128xf32, #tpu.memory_space<vmem>>) target(%dma_start3A_159 : memref<64x128xf32, #tpu.memory_space<hbm>>) target_semaphore(%arg33 : memref<!tpu.dma_semaphore, #tpu.memory_space<semaphore_mem>>)
    %dma_wait3A_160 = arith.constant 0 : i32
    %dma_wait3A_161 = arith.constant 0 : i32
    %dma_wait3A_162 = tpu.memref_slice %arg2[%dma_wait3A_160, %dma_wait3A_161] : memref<100000x128xf32, #tpu.memory_space<hbm>> -> memref<64x128xf32, #tpu.memory_space<hbm>>
    %dma_wait3A_163 = arith.constant 0 : i32
    %dma_wait3A_164 = arith.constant 0 : i32
    %dma_wait3A_165 = tpu.memref_slice %arg2[%dma_wait3A_163, %dma_wait3A_164] : memref<100000x128xf32, #tpu.memory_space<hbm>> -> memref<64x128xf32, #tpu.memory_space<hbm>>
    tpu.wait_dma2 semaphore(%arg24 : memref<!tpu.dma_semaphore, #tpu.memory_space<semaphore_mem>>) src(%dma_wait3A_165 : memref<64x128xf32, #tpu.memory_space<hbm>>) dst(%arg14 : memref<64x128xf32, #tpu.memory_space<vmem>>)
    %add3A_166 = arith.constant 6272 : i32
    %add3A_167 = arith.addi %multiple_of3A, %add3A_166 : i32
    %multiple_of3A_168 = tpu.assume_multiple %add3A_167, 8 : i32
    %dma_start3A_169 = arith.constant 0 : i32
    %dma_start3A_170 = tpu.memref_slice %arg4[%multiple_of3A_168, %dma_start3A_169] : memref<204800x128xf32, #tpu.memory_space<hbm>> -> memref<64x128xf32, #tpu.memory_space<hbm>>
    %dma_start3A_171 = arith.constant 0 : i32
    %dma_start3A_172 = tpu.memref_slice %arg4[%multiple_of3A_168, %dma_start3A_171] : memref<204800x128xf32, #tpu.memory_space<hbm>> -> memref<64x128xf32, #tpu.memory_space<hbm>>
    tpu.enqueue_dma source(%arg14 : memref<64x128xf32, #tpu.memory_space<vmem>>) target(%dma_start3A_172 : memref<64x128xf32, #tpu.memory_space<hbm>>) target_semaphore(%arg34 : memref<!tpu.dma_semaphore, #tpu.memory_space<semaphore_mem>>)
    %dma_wait3A_173 = arith.constant 0 : i32
    %dma_wait3A_174 = arith.constant 0 : i32
    %dma_wait3A_175 = tpu.memref_slice %arg2[%dma_wait3A_173, %dma_wait3A_174] : memref<100000x128xf32, #tpu.memory_space<hbm>> -> memref<64x128xf32, #tpu.memory_space<hbm>>
    %dma_wait3A_176 = arith.constant 0 : i32
    %dma_wait3A_177 = arith.constant 0 : i32
    %dma_wait3A_178 = tpu.memref_slice %arg2[%dma_wait3A_176, %dma_wait3A_177] : memref<100000x128xf32, #tpu.memory_space<hbm>> -> memref<64x128xf32, #tpu.memory_space<hbm>>
    tpu.wait_dma2 semaphore(%arg25 : memref<!tpu.dma_semaphore, #tpu.memory_space<semaphore_mem>>) src(%dma_wait3A_178 : memref<64x128xf32, #tpu.memory_space<hbm>>) dst(%arg15 : memref<64x128xf32, #tpu.memory_space<vmem>>)
    %add3A_179 = arith.constant 6336 : i32
    %add3A_180 = arith.addi %multiple_of3A, %add3A_179 : i32
    %multiple_of3A_181 = tpu.assume_multiple %add3A_180, 8 : i32
    %dma_start3A_182 = arith.constant 0 : i32
    %dma_start3A_183 = tpu.memref_slice %arg4[%multiple_of3A_181, %dma_start3A_182] : memref<204800x128xf32, #tpu.memory_space<hbm>> -> memref<64x128xf32, #tpu.memory_space<hbm>>
    %dma_start3A_184 = arith.constant 0 : i32
    %dma_start3A_185 = tpu.memref_slice %arg4[%multiple_of3A_181, %dma_start3A_184] : memref<204800x128xf32, #tpu.memory_space<hbm>> -> memref<64x128xf32, #tpu.memory_space<hbm>>
    tpu.enqueue_dma source(%arg15 : memref<64x128xf32, #tpu.memory_space<vmem>>) target(%dma_start3A_185 : memref<64x128xf32, #tpu.memory_space<hbm>>) target_semaphore(%arg35 : memref<!tpu.dma_semaphore, #tpu.memory_space<semaphore_mem>>)
    %dma_wait3A_186 = arith.constant 0 : i32
    %dma_wait3A_187 = arith.constant 0 : i32
    %dma_wait3A_188 = tpu.memref_slice %arg4[%dma_wait3A_186, %dma_wait3A_187] : memref<204800x128xf32, #tpu.memory_space<hbm>> -> memref<64x128xf32, #tpu.memory_space<hbm>>
    %dma_wait3A_189 = arith.constant 0 : i32
    %dma_wait3A_190 = arith.constant 0 : i32
    %dma_wait3A_191 = tpu.memref_slice %arg4[%dma_wait3A_189, %dma_wait3A_190] : memref<204800x128xf32, #tpu.memory_space<hbm>> -> memref<64x128xf32, #tpu.memory_space<hbm>>
    tpu.wait_dma2 semaphore(%arg26 : memref<!tpu.dma_semaphore, #tpu.memory_space<semaphore_mem>>) src(%arg6 : memref<64x128xf32, #tpu.memory_space<vmem>>) dst(%dma_wait3A_191 : memref<64x128xf32, #tpu.memory_space<hbm>>)
    %dma_wait3A_192 = arith.constant 0 : i32
    %dma_wait3A_193 = arith.constant 0 : i32
    %dma_wait3A_194 = tpu.memref_slice %arg4[%dma_wait3A_192, %dma_wait3A_193] : memref<204800x128xf32, #tpu.memory_space<hbm>> -> memref<64x128xf32, #tpu.memory_space<hbm>>
    %dma_wait3A_195 = arith.constant 0 : i32
    %dma_wait3A_196 = arith.constant 0 : i32
    %dma_wait3A_197 = tpu.memref_slice %arg4[%dma_wait3A_195, %dma_wait3A_196] : memref<204800x128xf32, #tpu.memory_space<hbm>> -> memref<64x128xf32, #tpu.memory_space<hbm>>
    tpu.wait_dma2 semaphore(%arg27 : memref<!tpu.dma_semaphore, #tpu.memory_space<semaphore_mem>>) src(%arg7 : memref<64x128xf32, #tpu.memory_space<vmem>>) dst(%dma_wait3A_197 : memref<64x128xf32, #tpu.memory_space<hbm>>)
    %dma_wait3A_198 = arith.constant 0 : i32
    %dma_wait3A_199 = arith.constant 0 : i32
    %dma_wait3A_200 = tpu.memref_slice %arg4[%dma_wait3A_198, %dma_wait3A_199] : memref<204800x128xf32, #tpu.memory_space<hbm>> -> memref<64x128xf32, #tpu.memory_space<hbm>>
    %dma_wait3A_201 = arith.constant 0 : i32
    %dma_wait3A_202 = arith.constant 0 : i32
    %dma_wait3A_203 = tpu.memref_slice %arg4[%dma_wait3A_201, %dma_wait3A_202] : memref<204800x128xf32, #tpu.memory_space<hbm>> -> memref<64x128xf32, #tpu.memory_space<hbm>>
    tpu.wait_dma2 semaphore(%arg28 : memref<!tpu.dma_semaphore, #tpu.memory_space<semaphore_mem>>) src(%arg8 : memref<64x128xf32, #tpu.memory_space<vmem>>) dst(%dma_wait3A_203 : memref<64x128xf32, #tpu.memory_space<hbm>>)
    %dma_wait3A_204 = arith.constant 0 : i32
    %dma_wait3A_205 = arith.constant 0 : i32
    %dma_wait3A_206 = tpu.memref_slice %arg4[%dma_wait3A_204, %dma_wait3A_205] : memref<204800x128xf32, #tpu.memory_space<hbm>> -> memref<64x128xf32, #tpu.memory_space<hbm>>
    %dma_wait3A_207 = arith.constant 0 : i32
    %dma_wait3A_208 = arith.constant 0 : i32
    %dma_wait3A_209 = tpu.memref_slice %arg4[%dma_wait3A_207, %dma_wait3A_208] : memref<204800x128xf32, #tpu.memory_space<hbm>> -> memref<64x128xf32, #tpu.memory_space<hbm>>
    tpu.wait_dma2 semaphore(%arg29 : memref<!tpu.dma_semaphore, #tpu.memory_space<semaphore_mem>>) src(%arg9 : memref<64x128xf32, #tpu.memory_space<vmem>>) dst(%dma_wait3A_209 : memref<64x128xf32, #tpu.memory_space<hbm>>)
    %dma_wait3A_210 = arith.constant 0 : i32
    %dma_wait3A_211 = arith.constant 0 : i32
    %dma_wait3A_212 = tpu.memref_slice %arg4[%dma_wait3A_210, %dma_wait3A_211] : memref<204800x128xf32, #tpu.memory_space<hbm>> -> memref<64x128xf32, #tpu.memory_space<hbm>>
    %dma_wait3A_213 = arith.constant 0 : i32
    %dma_wait3A_214 = arith.constant 0 : i32
    %dma_wait3A_215 = tpu.memref_slice %arg4[%dma_wait3A_213, %dma_wait3A_214] : memref<204800x128xf32, #tpu.memory_space<hbm>> -> memref<64x128xf32, #tpu.memory_space<hbm>>
    tpu.wait_dma2 semaphore(%arg30 : memref<!tpu.dma_semaphore, #tpu.memory_space<semaphore_mem>>) src(%arg10 : memref<64x128xf32, #tpu.memory_space<vmem>>) dst(%dma_wait3A_215 : memref<64x128xf32, #tpu.memory_space<hbm>>)
    %dma_wait3A_216 = arith.constant 0 : i32
    %dma_wait3A_217 = arith.constant 0 : i32
    %dma_wait3A_218 = tpu.memref_slice %arg4[%dma_wait3A_216, %dma_wait3A_217] : memref<204800x128xf32, #tpu.memory_space<hbm>> -> memref<64x128xf32, #tpu.memory_space<hbm>>
    %dma_wait3A_219 = arith.constant 0 : i32
    %dma_wait3A_220 = arith.constant 0 : i32
    %dma_wait3A_221 = tpu.memref_slice %arg4[%dma_wait3A_219, %dma_wait3A_220] : memref<204800x128xf32, #tpu.memory_space<hbm>> -> memref<64x128xf32, #tpu.memory_space<hbm>>
    tpu.wait_dma2 semaphore(%arg31 : memref<!tpu.dma_semaphore, #tpu.memory_space<semaphore_mem>>) src(%arg11 : memref<64x128xf32, #tpu.memory_space<vmem>>) dst(%dma_wait3A_221 : memref<64x128xf32, #tpu.memory_space<hbm>>)
    %dma_wait3A_222 = arith.constant 0 : i32
    %dma_wait3A_223 = arith.constant 0 : i32
    %dma_wait3A_224 = tpu.memref_slice %arg4[%dma_wait3A_222, %dma_wait3A_223] : memref<204800x128xf32, #tpu.memory_space<hbm>> -> memref<64x128xf32, #tpu.memory_space<hbm>>
    %dma_wait3A_225 = arith.constant 0 : i32
    %dma_wait3A_226 = arith.constant 0 : i32
    %dma_wait3A_227 = tpu.memref_slice %arg4[%dma_wait3A_225, %dma_wait3A_226] : memref<204800x128xf32, #tpu.memory_space<hbm>> -> memref<64x128xf32, #tpu.memory_space<hbm>>
    tpu.wait_dma2 semaphore(%arg32 : memref<!tpu.dma_semaphore, #tpu.memory_space<semaphore_mem>>) src(%arg12 : memref<64x128xf32, #tpu.memory_space<vmem>>) dst(%dma_wait3A_227 : memref<64x128xf32, #tpu.memory_space<hbm>>)
    %dma_wait3A_228 = arith.constant 0 : i32
    %dma_wait3A_229 = arith.constant 0 : i32
    %dma_wait3A_230 = tpu.memref_slice %arg4[%dma_wait3A_228, %dma_wait3A_229] : memref<204800x128xf32, #tpu.memory_space<hbm>> -> memref<64x128xf32, #tpu.memory_space<hbm>>
    %dma_wait3A_231 = arith.constant 0 : i32
    %dma_wait3A_232 = arith.constant 0 : i32
    %dma_wait3A_233 = tpu.memref_slice %arg4[%dma_wait3A_231, %dma_wait3A_232] : memref<204800x128xf32, #tpu.memory_space<hbm>> -> memref<64x128xf32, #tpu.memory_space<hbm>>
    tpu.wait_dma2 semaphore(%arg33 : memref<!tpu.dma_semaphore, #tpu.memory_space<semaphore_mem>>) src(%arg13 : memref<64x128xf32, #tpu.memory_space<vmem>>) dst(%dma_wait3A_233 : memref<64x128xf32, #tpu.memory_space<hbm>>)
    %dma_wait3A_234 = arith.constant 0 : i32
    %dma_wait3A_235 = arith.constant 0 : i32
    %dma_wait3A_236 = tpu.memref_slice %arg4[%dma_wait3A_234, %dma_wait3A_235] : memref<204800x128xf32, #tpu.memory_space<hbm>> -> memref<64x128xf32, #tpu.memory_space<hbm>>
    %dma_wait3A_237 = arith.constant 0 : i32
    %dma_wait3A_238 = arith.constant 0 : i32
    %dma_wait3A_239 = tpu.memref_slice %arg4[%dma_wait3A_237, %dma_wait3A_238] : memref<204800x128xf32, #tpu.memory_space<hbm>> -> memref<64x128xf32, #tpu.memory_space<hbm>>
    tpu.wait_dma2 semaphore(%arg34 : memref<!tpu.dma_semaphore, #tpu.memory_space<semaphore_mem>>) src(%arg14 : memref<64x128xf32, #tpu.memory_space<vmem>>) dst(%dma_wait3A_239 : memref<64x128xf32, #tpu.memory_space<hbm>>)
    %dma_wait3A_240 = arith.constant 0 : i32
    %dma_wait3A_241 = arith.constant 0 : i32
    %dma_wait3A_242 = tpu.memref_slice %arg4[%dma_wait3A_240, %dma_wait3A_241] : memref<204800x128xf32, #tpu.memory_space<hbm>> -> memref<64x128xf32, #tpu.memory_space<hbm>>
    %dma_wait3A_243 = arith.constant 0 : i32
    %dma_wait3A_244 = arith.constant 0 : i32
    %dma_wait3A_245 = tpu.memref_slice %arg4[%dma_wait3A_243, %dma_wait3A_244] : memref<204800x128xf32, #tpu.memory_space<hbm>> -> memref<64x128xf32, #tpu.memory_space<hbm>>
    tpu.wait_dma2 semaphore(%arg35 : memref<!tpu.dma_semaphore, #tpu.memory_space<semaphore_mem>>) src(%arg15 : memref<64x128xf32, #tpu.memory_space<vmem>>) dst(%dma_wait3A_245 : memref<64x128xf32, #tpu.memory_space<hbm>>)
    return
  }
}

</mosaic_0001>

<sc_bundles>
// kernel: _gather_rows.3.cloned.1.call-start
scs
__scs_entry_jumppad:
0x0: {  	(pc) =	sbr.rel $0x88, $3  }
0x1: {  	(tag) =	ssettag $0x0;
	lr =	simm.s32 $0x1  }
0x2: {  	[smem:$0x3F9F] =	sst lr;
	_ =	strace $0xD0000000  }
0x3: {  	_ = 	snop  }
0x4: {  	_ = 	snop  }
0x5: {  	_ = 	snop  }
0x6: {  	_ = 	snop  }
0x7: {  	_ = 	snop  }
__scs_overlays_trampoline_lowered:
0x8: {  	[smem:$0x3FAE] =	sst s0  }
0x9: {  	[smem:$0x3FAF] =	sst s1  }
0xa: {  	[smem:$0x3FB0] =	sst s2  }
0xb: {  	[smem:$0x3FB1] =	sst s3  }
0xc: {  	[smem:$0x3FB2] =	sst s4  }
0xd: {  	[smem:$0x3FB3] =	sst s5  }
0xe: {  	[smem:$0x3FB4] =	sst s6  }
0xf: {  	[smem:$0x3FB5] =	sst s7  }
0x10: {  	[smem:$0x3FB6] =	sst s8  }
0x11: {  	[smem:$0x3FB7] =	sst s9;
	s0 =	simm.s32 @!p0 $0x0  }
0x12: {  	s1 =	sld [smem:$0x3F9D];
	s0 =	simm.s32 @p0 $0x1  }
0x13: {  	[smem:$0x3FB8] =	sst s0;
	s0 =	simm.s32 @!p1 $0x0  }
0x14: {  	s2 =	sld [smem:$0x3F9C];
	s0 =	simm.s32 @p1 $0x1  }
0x15: {  	[smem:$0x3FB9] =	sst s0;
	s0 =	simm.s32 @!p2 $0x0  }
0x16: {  	s3 =	sld [smem:$0x3FDB];
	s0 =	simm.s32 @p2 $0x1  }
0x17: {  	s4 =	simm.s32 $0x1BF5;
	[smem:$0x3FBB] =	sst s0  }
0x18: {  	s0 =	sld [smem:$0x3F9E];
	_ =	swait.ge [sflag:s4], $0x0  }
0x19: {  	s7 =	sld [smem:$0x3F9F]  }
0x1a: {  	s8 =	sadd.s32 $0xFFFFE003, lr  }
0x1b: {  	s9 =	sadd.s32 $0xFFFFFEF7, lr;
	s5 =	simm.s32 $0xFFFFFFFF;
	p2 =	slt.u32 s8, $0xFFFFF086  }
0x1c: {  	p1 =	slt.u32 s9, $0xF7A;
	s5 =	simm.s32 @!p2 $0x0  }
0x1d: {  	s5 =	simm.s32 @p1 $0x1;
	p0 =	seq.s32 s7, s2  }
0x1e: {  	s7 =	smul.u32 @!p0 $0xF7A, s2;
	p2 =	seq.s32 @!p0 s5, $0x0  }
0x1f: {  	s9 =	smul.u32 $0xF7A, s1;
	s8 =	simm.s32 @!p0 $0x1BF5;
	p2 =	por !p2, p0  }
0x20: {  	[sflag:s8] =	ssyncset.s32 @!p0 $0xFFFFF086;
	s6 =	sadd.s32 @!p0 s3, s7;
	s7 =	simm.s32 @!p0 $0x108  }
0x21: {  	s3 =	sadd.s32 s3, s9;
	s6 =	sadd.s32 @!p0 $0x88, s6;
	s7 =	simm.s32 @p2 $0x1082  }
0x22: {  	[simem:s7], [sflag:s8] =	dma.local @!p0 [hbm:s6], $0xF7A  }
0x23: {  	s9 =	sor.u32 $0xD0000000, s2;
	s6 =	simm.s32 $0x108;
	_ =	swait.ge @!p0 [sflag:s8], $0x0  }
0x24: {  	s3 =	sadd.s32 $0x88, s3;
	s6 =	simm.s32 @!p1 $0x1082;
	[sflag:s4] =	ssyncset.s32 $0xFFFFF086  }
0x25: {  	[simem:s6], [sflag:s4] =	dma.local [hbm:s3], $0xF7A  }
0x26: {  	[smem:$0x3F9F] =	sst s1;
	(tag) =	ssettag s2;
	_ =	strace s9  }
0x27: {  	s1 =	sld [smem:$0x3FAF]  }
0x28: {  	s2 =	sld [smem:$0x3FB0]  }
0x29: {  	s4 =	sld [smem:$0x3FB2]  }
0x2a: {  	p0 =	seq.s32 s5, $0x0;
	s5 =	sld [smem:$0x3FB3]  }
0x2b: {  	s6 =	sld [smem:$0x3FB4]  }
0x2c: {  	s7 =	sld [smem:$0x3FB5]  }
0x2d: {  	s3 =	simm.s32 $0x108;
	s8 =	sld [smem:$0x3FB6]  }
0x2e: {  	s3 =	simm.s32 @!p0 $0x1082;
	s9 =	sld [smem:$0x3FB7]  }
0x2f: {  	lr =	sadd.s32 s0, s3;
	s0 =	sld [smem:$0x3FAE]  }
0x30: {  	s3 =	sld [smem:$0x3FB1]  }
0x31: {  	[smem:$0x3FBA] =	sst s10  }
0x32: {  	s10 =	sld [smem:$0x3FB8];
	_ =	sdelay $0x3  }
0x33: {  	p0 =	seq.s32 s10, $0x1;
	s10 =	sld [smem:$0x3FBA];
	_ =	sdelay $0x3  }
0x34: {  	[smem:$0x3FBA] =	sst s10  }
0x35: {  	s10 =	sld [smem:$0x3FB9];
	_ =	sdelay $0x3  }
0x36: {  	p1 =	seq.s32 s10, $0x1;
	s10 =	sld [smem:$0x3FBA];
	_ =	sdelay $0x3  }
0x37: {  	[smem:$0x3FBA] =	sst s10  }
0x38: {  	s10 =	sld [smem:$0x3FBB]  }
0x39: {  	_ = 	snop;
	(pc) =	sbr.ind lr, $3  }
0x3a: {  	_ = 	snop  }
0x3b: {  	_ = 	snop  }
0x3c: {  	p2 =	seq.s32 s10, $0x1;
	s10 =	sld [smem:$0x3FBA]  }
0x3d: {  	_ =	shalt  }
0x3e: {  	_ =	shalt  }
0x3f: {  	_ =	shalt  }
0x40: {  	_ =	shalt  }
0x41: {  	_ =	shalt  }
0x42: {  	_ =	shalt  }
0x43: {  	_ =	shalt  }
0x44: {  	_ =	shalt  }
0x45: {  	_ =	shalt  }
0x46: {  	_ =	shalt  }
0x47: {  	_ =	shalt  }
0x48: {  	_ =	shalt  }
0x49: {  	_ =	shalt  }
0x4a: {  	_ =	shalt  }
0x4b: {  	_ =	shalt  }
0x4c: {  	_ =	shalt  }
0x4d: {  	_ =	shalt  }
0x4e: {  	_ =	shalt  }
0x4f: {  	_ =	shalt  }
0x50: {  	_ =	shalt  }
0x51: {  	_ =	shalt  }
0x52: {  	_ =	shalt  }
0x53: {  	_ =	shalt  }
0x54: {  	_ =	shalt  }
0x55: {  	_ =	shalt  }
0x56: {  	_ =	shalt  }
0x57: {  	_ =	shalt  }
0x58: {  	_ =	shalt  }
0x59: {  	_ =	shalt  }
0x5a: {  	_ =	shalt  }
0x5b: {  	_ =	shalt  }
0x5c: {  	_ =	shalt  }
0x5d: {  	_ =	shalt  }
0x5e: {  	_ =	shalt  }
0x5f: {  	_ =	shalt  }
0x60: {  	_ =	shalt  }
0x61: {  	_ =	shalt  }
0x62: {  	_ =	shalt  }
0x63: {  	_ =	shalt  }
0x64: {  	_ =	shalt  }
0x65: {  	_ =	shalt  }
0x66: {  	_ =	shalt  }
0x67: {  	_ =	shalt  }
0x68: {  	_ =	shalt  }
0x69: {  	_ =	shalt  }
0x6a: {  	_ =	shalt  }
0x6b: {  	_ =	shalt  }
0x6c: {  	_ =	shalt  }
0x6d: {  	_ =	shalt  }
0x6e: {  	_ =	shalt  }
0x6f: {  	_ =	shalt  }
0x70: {  	_ =	shalt  }
0x71: {  	_ =	shalt  }
0x72: {  	_ =	shalt  }
0x73: {  	_ =	shalt  }
0x74: {  	_ =	shalt  }
0x75: {  	_ =	shalt  }
0x76: {  	_ =	shalt  }
0x77: {  	_ =	shalt  }
0x78: {  	_ =	shalt  }
0x79: {  	_ =	shalt  }
0x7a: {  	_ =	shalt  }
0x7b: {  	_ =	shalt  }
0x7c: {  	_ =	shalt  }
0x7d: {  	_ =	shalt  }
0x7e: {  	_ =	shalt  }
0x7f: {  	_ =	shalt  }
0x80: {  	_ =	shalt  }
0x81: {  	_ =	shalt  }
0x82: {  	_ =	shalt  }
0x83: {  	_ =	shalt  }
0x84: {  	_ =	shalt  }
0x85: {  	_ =	shalt  }
0x86: {  	_ =	shalt  }
0x87: {  	_ =	shalt  }
.Lfunc_end0:
.L_simem_size_0:
called_computation_lowered:
.L_overlay_start_0:
0x88: {  	s2 =	sld [smem:$0x3FD9]  }
0x89: {  	s3 =	sld [smem:$0x3FFE];
	_ =	sdelay $0x1  }
0x8a: {  	s1 =	srdreg.scid  }
0x8b: {  	s0 =	sand.u32 $0x1, s1  }
0x8c: {  	s18 =	sshll.u32 s0, $0xA;
	s2 =	sadd.s32 s3, s2  }
0x8d: {  	s2 =	sadd.s32 s2, s18  }
0x8e: {  	[smem:$0x3FC6] =	sst s2  }
0x8f: {  	_ = 	snop  }
0x90: {  	s2 =	sld [smem:$0x3FC9]  }
0x91: {  	s19 =	sld [smem:$0x3FC8]  }
0x92: {  	s4 =	sld [smem:$0x3FD0];
	(tm) =	ssettm $0x1  }
0x93: {  	s5 =	sld [smem:$0x3FFB];
	_ =	sdelay $0x3  }
0x94: {  	_ =	strace s5  }
0x95: {  	s5 =	sld [smem:$0x3FFC];
	_ =	sdelay $0x3  }
0x96: {  	_ =	strace s5  }
0x97: {  	s5 =	sld [smem:$0x3FFD];
	_ =	sdelay $0x3  }
0x98: {  	_ =	strace s5  }
0x99: {  	_ =	strace $0x8FFFFFFF  }
0x9a: {  	s20 =	sld [smem:$0x3FDB];
	_ =	sdelay $0x1  }
0x9b: {  	s6 =	simm.s32 $_scs_section_size  }
0x9c: {  	s7 =	simm.s32 $_size__tile_overlayer_lowered;
	s8 =	simm.s32 $_tile_overlayer_lowered  }
0x9d: {  	s23 =	simm.s32 $0x1BFF;
	s22 =	sshll.u32 s8, $0x1;
	s5 =	sadd.s32 s6, s20  }
0x9e: {  	s9 =	simm.s32 $0x0;
	s21 =	sshll.u32 s7, $0x1;
	s7 =	sadd.s32 s22, s5  }
0x9f: {  	[timem:s9], [sflag:s23] =	dma.local [hbm:s7], s21  }
0xa0: {  	_ =	swait.ge [sflag:s23], s21  }
0xa1: {  	s6 =	ssub.s32 $0x0, s21;
	[sflag:s23] =	ssyncset.done $0x0  }
0xa2: {  	[sflag:s23] =	ssyncadd.s32 s6;
	_ =	sdelay $0x1  }
0xa3: {  	s24 =	simm.s32 $0x1B8B  }
0xa4: {  	_ =	swait.ge [sflag:s24], $0x1  }
0xa5: {  	[sflag:s24] =	ssyncset.done $0x0  }
0xa6: {  	s25 =	simm.s32 $0x1B8E;
	[sflag:s24] =	ssyncadd.s32 $0xFFFFFFFF  }
0xa7: {  	s26 =	simm.s32 $execute0_lowered;
	[smem:$0x3FD2] =	sst s25  }
0xa8: {  	s6 =	sshll.u32 s26, $0x1;
	_ =	strace $0x80000046;
	[dreg:$0x1] =	wrdreg $0xFFFFFFFF  }
0xa9: {  	s28 =	simm.s32 $_size_execute0_lowered;
	s5 =	sadd.s32 s5, s6;
	[dreg:$0x0] =	wrdreg $0x0  }
0xaa: {  	s6 =	sshll.u32 s28, $0x1;
	[dreg:$0x2] =	wrdreg s5  }
0xab: {  	[dreg:$0x3] =	wrdreg s6  }
0xac: {  	[dreg:$0x4] =	wrdreg $0xC0  }
0xad: {  	_ =	task [dreg:s9], $0x5FFFF  }
0xae: {  	[dreg:$0x1] =	wrdreg $0xFFFFFFFF  }
0xaf: {  	[dreg:$0x0] =	wrdreg $0x60  }
0xb0: {  	[dreg:$0x2] =	wrdreg s2  }
0xb1: {  	[dreg:$0x3] =	wrdreg s19  }
0xb2: {  	[dreg:$0x4] =	wrdreg s4  }
0xb3: {  	[dreg:$0x5] =	wrdreg $0x9  }
0xb4: {  	_ =	task.clear_ibuf [dreg:s9], $0x6FFFF;
	_ =	strace $0x90000046  }
0xb5: {  	s29 =	simm.s32 $0x9;
	_ =	strace $0x80000048  }
0xb6: {  	_ =	swait.ge [sflag:s29], $0x1  }
0xb7: {  	[sflag:s29] =	ssyncadd.s32 $0xFFFFFFFF  }
0xb8: {  	_ =	strace $0x90000048  }
0xb9: {  	_ =	sfence  }
0xba: {  	s30 =	sld [smem:$0x0];
	_ =	sdelay $0x2  }
0xbb: {  	s31 =	sshll.u32 s1, $0xD;
	s1 =	sshrl.u32 s1, $0x2  }
0xbc: {  	s3 =	sand.u32 $0x4000, s31;
	s1 =	sadd.s32 s1, s30  }
0xbd: {  	s0 =	sor.u32 s3, s0;
	s1 =	sshll.u32 s1, $0x11  }
0xbe: {  	s0 =	sor.u32 s1, s0  }
0xbf: {  	s0 =	sadd.s32 $0x8F2B, s0  }
0xc0: {  	[sflag:s0] =	ssyncadd.remote.s32 $0x1  }
0xc1: {  	_ =	sfence.sel $0xFFFF  }
0xc2: {  	[dreg:$0x0] =	wrdreg $0xFFFFFFFF;
	(pc) =	sbr.abs _section_cstart, $3  }
0xc3: {  	[dreg:$0x1] =	wrdreg $0xFFFFFFFF  }
0xc4: {  	_ =	task.clear_ibuf [dreg:s9], $0x2FFFF;
	_ =	strace $0x9FFFFFFF  }
0xc5: {  	(tm) =	ssettm $0x7FFFFFFF  }
tec
execute0_lowered:
.L_overlay_start_1:
0x0: {  	(tag) =	ssettag $0x1  }
0x1: {  	s1 =	rddreg [dreg:$0x0];
	s0 =	srdreg.scid  }
0x2: {  	s10 =	stileid.u32;
	s2 =	rddreg [dreg:$0x1]  }
0x3: {  	s4 =	rddreg [dreg:$0x2];
	s28 =	simm.s32 $0x5900;
	s11 =	simm.s32 $0xE  }
0x4: {  	s12 =	simm.s32 $0x8;
	s13 =	simm.s32 $0xF;
	s14 =	simm.s32 $0x9  }
0x5: {  	s15 =	simm.s32 $0x10;
	s17 =	simm.s32 $0x11;
	s16 =	simm.s32 $0x12  }
0x6: {  	s0 =	sand.u32 $0x1, s0;
	s3 =	sshll.u32 s10, $0x1;
	s24 =	smul.u32 $0x32000, s10  }
0x7: {  	s5 =	sor.u32 s0, s3;
	s7 =	ssub.s32 $0x2, s0;
	s0 =	smul.u32 $0x19000, s0  }
0x8: {  	s10 =	simm.s32 $0x7;
	s3 =	simm.s32 $0x0;
	s6 =	smul.u32 $0x1900, s5  }
0x9: {  	s8 =	smul.u32 $0x19000, s5;
	[smem:$0x7FF] =	sst s3;
	s9 =	sshrl.u32 s7, $0x1  }
0xa: {  	s5 =	smul.u32 $0xC8000, s5;
	_ =	strace $0x80000047;
	s7 =	ssub.s32 s7, s9  }
0xb: {  	s9 =	simm.s32 $0x4;
	s6 =	sshrl.u32 s6, $0x3;
	s18 =	sadd.s32 s4, s8  }
0xc: {  	s19 =	sshrl.u32 s5, $0x3;
	s31 =	smax.u32 s7, $0x1;
	[dreg:$0x5] =	wrdreg s18  }
0xd: {  	s7 =	simm.s32 $0x3;
	s2 =	sadd.s32 s2, s6;
	[dreg:$0xf] =	wrdreg s31  }
0xe: {  	s5 =	simm.s32 $0xA;
	s20 =	sadd.s32 $0x400, s18;
	[dreg:$0x4] =	wrdreg s2  }
0xf: {  	s21 =	sadd.s32 $0x800, s18;
	s22 =	sadd.s32 $0xC00, s18;
	[dreg:$0x6] =	wrdreg s20  }
0x10: {  	s18 =	simm.s32 $0x40;
	[dreg:$0x7] =	wrdreg s21;
	s2 =	sadd.s32 s4, s19  }
0x11: {  	s6 =	simm.s32 $0x2;
	[dreg:$0x8] =	wrdreg s22;
	s23 =	sadd.s32 $0x17800, s2  }
0x12: {  	s4 =	sadd.s32 s24, s4;
	s25 =	sadd.s32 $0x17C00, s2;
	[dreg:$0x9] =	wrdreg s23  }
0x13: {  	s21 =	simm.s32 $0x3900;
	s26 =	sadd.s32 $0x18000, s2;
	[dreg:$0xa] =	wrdreg s25  }
0x14: {  	s19 =	simm.s32 $0x13;
	s29 =	sadd.s32 $0x18400, s2;
	[dreg:$0xb] =	wrdreg s26  }
0x15: {  	s20 =	simm.s32 $0x14;
	s30 =	sadd.s32 $0x18800, s2;
	[dreg:$0xc] =	wrdreg s29  }
0x16: {  	s2 =	sadd.s32 $0x18C00, s2;
	s0 =	sadd.s32 s0, s4;
	[dreg:$0xd] =	wrdreg s30  }
0x17: {  	[dreg:$0xe] =	wrdreg s2;
	s0 =	sadd.s32 $0x1C00, s0;
	s26 =	simm.s32 $0x1900  }
0x18: {  	s2 =	simm.s32 $0x0;
	[dreg:$0x10] =	wrdreg s0;
	s0 =	simm.s32 $0x1  }
.LBB2_1:
0x19: {  	[dreg:$0x11] =	wrdreg s2  }
0x1a: {  	s22 =	rddreg [dreg:$0x4];
	s23 =	simm.s32 $0x15  }
0x1b: {  	[tilespmem:s3], [sflag:$0x15] =	stream.linear.gather [hbm4b:s22+s3], $0x1900, $0x38;
	[tilespmem:$0x15900] =	vst v63  }
0x1c: {  	_ =	swait.ge [sflag:s23], $0x1900  }
0x1d: {  	[sflag:s23] =	ssyncset.done $0x0  }
0x1e: {  	[sflag:s23] =	ssyncadd.s32 $0xFFFFE700  }
0x1f: {  	[tilespmem:s26], [sflag:$0x1] =	stream.indirect.gather [hbm4b:s1+s18], $0x80, s3, s18, $0xb8;
	[tilespmem:$0x15900] =	vst v63  }
0x20: {  	_ = 	snop  }
0x21: {  	[tilespmem:s21], [sflag:$0x2] =	stream.indirect.gather [hbm4b:s1+s18], $0x80, s18, s18, $0xb8;
	[tilespmem:$0x15900] =	vst v63  }
0x22: {  	s24 =	simm.s32 $0x80  }
0x23: {  	[tilespmem:s28], [sflag:$0x3] =	stream.indirect.gather [hbm4b:s1+s18], $0x80, s24, s18, $0xb8;
	[tilespmem:$0x15900] =	vst v63  }
0x24: {  	s25 =	simm.s32 $0xC0;
	s2 =	simm.s32 $0x7900  }
0x25: {  	[tilespmem:s2], [sflag:$0x4] =	stream.indirect.gather [hbm4b:s1+s18], $0x80, s25, s18, $0xb8;
	[tilespmem:$0x15900] =	vst v63  }
0x26: {  	s29 =	simm.s32 $0x100;
	s25 =	simm.s32 $0x9900  }
0x27: {  	[tilespmem:s25], [sflag:$0x5] =	stream.indirect.gather [hbm4b:s1+s18], $0x80, s29, s18, $0xb8;
	[tilespmem:$0x15900] =	vst v63  }
0x28: {  	s30 =	simm.s32 $0x140;
	s23 =	simm.s32 $0xB900  }
0x29: {  	[tilespmem:s23], [sflag:$0x6] =	stream.indirect.gather [hbm4b:s1+s18], $0x80, s30, s18, $0xb8;
	[tilespmem:$0x15900] =	vst v63  }
0x2a: {  	s4 =	simm.s32 $0x180;
	s29 =	simm.s32 $0xD900  }
0x2b: {  	[tilespmem:s29], [sflag:$0x7] =	stream.indirect.gather [hbm4b:s1+s18], $0x80, s4, s18, $0xb8;
	[tilespmem:$0x15900] =	vst v63  }
0x2c: {  	_ =	swait.ge [sflag:s0], $0x2000  }
0x2d: {  	[sflag:s0] =	ssyncset.done $0x0  }
0x2e: {  	s8 =	rddreg [dreg:$0x5];
	[sflag:s0] =	ssyncadd.s32 $0xFFFFE000  }
0x2f: {  	[hbm4b:s8+s3] =	stream.linear.scatter [tilespmem:s26], [sflag:$0xB], $0x2000, $0x38;
	[tilespmem:$0x15900] =	vst v63  }
0x30: {  	s24 =	simm.s32 $0x1C0;
	s30 =	simm.s32 $0xF900  }
0x31: {  	[tilespmem:s30], [sflag:$0x8] =	stream.indirect.gather [hbm4b:s1+s18], $0x80, s24, s18, $0xb8;
	[tilespmem:$0x15900] =	vst v63  }
0x32: {  	_ =	swait.ge [sflag:s6], $0x2000  }
0x33: {  	[sflag:s6] =	ssyncset.done $0x0  }
0x34: {  	s4 =	rddreg [dreg:$0x6];
	[sflag:s6] =	ssyncadd.s32 $0xFFFFE000  }
0x35: {  	[hbm4b:s4+s3] =	stream.linear.scatter [tilespmem:s21], [sflag:$0xC], $0x2000, $0x38;
	[tilespmem:$0x15900] =	vst v63  }
0x36: {  	s31 =	simm.s32 $0x11900;
	s4 =	simm.s32 $0x200  }
0x37: {  	[tilespmem:s31], [sflag:$0x9] =	stream.indirect.gather [hbm4b:s1+s18], $0x80, s4, s18, $0xb8;
	[tilespmem:$0x15900] =	vst v63  }
0x38: {  	_ =	swait.ge [sflag:s7], $0x2000  }
0x39: {  	[sflag:s7] =	ssyncset.done $0x0  }
0x3a: {  	s8 =	rddreg [dreg:$0x7];
	[sflag:s7] =	ssyncadd.s32 $0xFFFFE000  }
0x3b: {  	[hbm4b:s8+s3] =	stream.linear.scatter [tilespmem:s28], [sflag:$0xD], $0x2000, $0x38;
	[tilespmem:$0x15900] =	vst v63  }
0x3c: {  	s24 =	simm.s32 $0x240;
	s8 =	simm.s32 $0x13900  }
0x3d: {  	[tilespmem:s8], [sflag:$0xA] =	stream.indirect.gather [hbm4b:s1+s18], $0x80, s24, s18, $0xb8;
	[tilespmem:$0x15900] =	vst v63  }
0x3e: {  	_ =	swait.ge [sflag:s9], $0x2000  }
0x3f: {  	[sflag:s9] =	ssyncset.done $0x0  }
0x40: {  	s24 =	simm.s32 $0xB;
	s4 =	rddreg [dreg:$0x8];
	[sflag:s9] =	ssyncadd.s32 $0xFFFFE000  }
0x41: {  	[hbm4b:s4+s3] =	stream.linear.scatter [tilespmem:s2], [sflag:$0xE], $0x2000, $0x38;
	[tilespmem:$0x15900] =	vst v63  }
0x42: {  	_ =	swait.ge [sflag:s24], $0x2000  }
0x43: {  	[sflag:s24] =	ssyncset.done $0x0  }
0x44: {  	s4 =	simm.s32 $0x280;
	[sflag:s24] =	ssyncadd.s32 $0xFFFFE000;
	s24 =	simm.s32 $0x5  }
0x45: {  	[tilespmem:s26], [sflag:$0x1] =	stream.indirect.gather [hbm4b:s1+s18], $0x80, s4, s18, $0xb8;
	[tilespmem:$0x15900] =	vst v63  }
0x46: {  	_ =	swait.ge [sflag:s24], $0x2000  }
0x47: {  	[sflag:s24] =	ssyncset.done $0x0  }
0x48: {  	[sflag:s24] =	ssyncadd.s32 $0xFFFFE000;
	s24 =	rddreg [dreg:$0x10]  }
0x49: {  	s22 =	simm.s32 $0xC;
	s4 =	sadd.s32 $0xFFFFF400, s24  }
0x4a: {  	[hbm4b:s4+s3] =	stream.linear.scatter [tilespmem:s25], [sflag:$0xF], $0x2000, $0x38;
	[tilespmem:$0x15900] =	vst v63  }
0x4b: {  	_ =	swait.ge [sflag:s22], $0x2000  }
0x4c: {  	[sflag:s22] =	ssyncset.done $0x0  }
0x4d: {  	s4 =	simm.s32 $0x2C0;
	[sflag:s22] =	ssyncadd.s32 $0xFFFFE000;
	s22 =	simm.s32 $0x6  }
0x4e: {  	[tilespmem:s21], [sflag:$0x2] =	stream.indirect.gather [hbm4b:s1+s18], $0x80, s4, s18, $0xb8;
	[tilespmem:$0x15900] =	vst v63  }
0x4f: {  	_ =	swait.ge [sflag:s22], $0x2000  }
0x50: {  	[sflag:s22] =	ssyncset.done $0x0  }
0x51: {  	s4 =	sadd.s32 $0xFFFFF800, s24;
	[sflag:s22] =	ssyncadd.s32 $0xFFFFE000;
	s22 =	simm.s32 $0xD  }
0x52: {  	[hbm4b:s4+s3] =	stream.linear.scatter [tilespmem:s23], [sflag:$0x10], $0x2000, $0x38;
	[tilespmem:$0x15900] =	vst v63  }
0x53: {  	_ =	swait.ge [sflag:s22], $0x2000  }
0x54: {  	[sflag:s22] =	ssyncset.done $0x0  }
0x55: {  	s4 =	simm.s32 $0x300;
	[sflag:s22] =	ssyncadd.s32 $0xFFFFE000  }
0x56: {  	[tilespmem:s28], [sflag:$0x3] =	stream.indirect.gather [hbm4b:s1+s18], $0x80, s4, s18, $0xb8;
	[tilespmem:$0x15900] =	vst v63  }
0x57: {  	_ =	swait.ge [sflag:s10], $0x2000  }
0x58: {  	[sflag:s10] =	ssyncset.done $0x0  }
0x59: {  	s4 =	sadd.s32 $0xFFFFFC00, s24;
	[sflag:s10] =	ssyncadd.s32 $0xFFFFE000  }
0x5a: {  	[hbm4b:s4+s3] =	stream.linear.scatter [tilespmem:s29], [sflag:$0x11], $0x2000, $0x38;
	[tilespmem:$0x15900] =	vst v63  }
0x5b: {  	_ =	swait.ge [sflag:s11], $0x2000  }
0x5c: {  	[sflag:s11] =	ssyncset.done $0x0  }
0x5d: {  	s4 =	simm.s32 $0x340;
	[sflag:s11] =	ssyncadd.s32 $0xFFFFE000  }
0x5e: {  	[tilespmem:s2], [sflag:$0x4] =	stream.indirect.gather [hbm4b:s1+s18], $0x80, s4, s18, $0xb8;
	[tilespmem:$0x15900] =	vst v63  }
0x5f: {  	_ =	swait.ge [sflag:s12], $0x2000  }
0x60: {  	[sflag:s12] =	ssyncset.done $0x0  }
0x61: {  	[sflag:s12] =	ssyncadd.s32 $0xFFFFE000  }
0x62: {  	[hbm4b:s24+s3] =	stream.linear.scatter [tilespmem:s30], [sflag:$0x12], $0x2000, $0x38;
	[tilespmem:$0x15900] =	vst v63  }
0x63: {  	_ =	swait.ge [sflag:s13], $0x2000  }
0x64: {  	[sflag:s13] =	ssyncset.done $0x0  }
0x65: {  	s4 =	simm.s32 $0x380;
	[sflag:s13] =	ssyncadd.s32 $0xFFFFE000  }
0x66: {  	[tilespmem:s25], [sflag:$0x5] =	stream.indirect.gather [hbm4b:s1+s18], $0x80, s4, s18, $0xb8;
	[tilespmem:$0x15900] =	vst v63  }
0x67: {  	_ =	swait.ge [sflag:s14], $0x2000  }
0x68: {  	[sflag:s14] =	ssyncset.done $0x0  }
0x69: {  	s2 =	sadd.s32 $0x400, s24;
	[sflag:s14] =	ssyncadd.s32 $0xFFFFE000  }
0x6a: {  	[hbm4b:s2+s3] =	stream.linear.scatter [tilespmem:s31], [sflag:$0x13], $0x2000, $0x38;
	[tilespmem:$0x15900] =	vst v63  }
0x6b: {  	_ =	swait.ge [sflag:s15], $0x2000  }
0x6c: {  	[sflag:s15] =	ssyncset.done $0x0  }
0x6d: {  	s4 =	simm.s32 $0x3C0;
	[sflag:s15] =	ssyncadd.s32 $0xFFFFE000  }
0x6e: {  	[tilespmem:s23], [sflag:$0x6] =	stream.indirect.gather [hbm4b:s1+s18], $0x80, s4, s18, $0xb8;
	[tilespmem:$0x15900] =	vst v63  }
0x6f: {  	_ =	swait.ge [sflag:s5], $0x2000  }
0x70: {  	[sflag:s5] =	ssyncset.done $0x0  }
0x71: {  	s25 =	sadd.s32 $0x800, s24;
	[sflag:s5] =	ssyncadd.s32 $0xFFFFE000  }
0x72: {  	[hbm4b:s25+s3] =	stream.linear.scatter [tilespmem:s8], [sflag:$0x14], $0x2000, $0x38;
	[tilespmem:$0x15900] =	vst v63  }
0x73: {  	_ =	swait.ge [sflag:s17], $0x2000  }
0x74: {  	[sflag:s17] =	ssyncset.done $0x0  }
0x75: {  	s2 =	simm.s32 $0x400;
	[sflag:s17] =	ssyncadd.s32 $0xFFFFE000  }
0x76: {  	[tilespmem:s29], [sflag:$0x7] =	stream.indirect.gather [hbm4b:s1+s18], $0x80, s2, s18, $0xb8;
	[tilespmem:$0x15900] =	vst v63  }
0x77: {  	_ =	swait.ge [sflag:s0], $0x2000  }
0x78: {  	[sflag:s0] =	ssyncset.done $0x0  }
0x79: {  	s4 =	sadd.s32 $0xC00, s24;
	[sflag:s0] =	ssyncadd.s32 $0xFFFFE000  }
0x7a: {  	[hbm4b:s4+s3] =	stream.linear.scatter [tilespmem:s26], [sflag:$0xB], $0x2000, $0x38;
	[tilespmem:$0x15900] =	vst v63  }
0x7b: {  	_ =	swait.ge [sflag:s16], $0x2000  }
0x7c: {  	[sflag:s16] =	ssyncset.done $0x0  }
0x7d: {  	s23 =	simm.s32 $0x440;
	[sflag:s16] =	ssyncadd.s32 $0xFFFFE000  }
0x7e: {  	[tilespmem:s30], [sflag:$0x8] =	stream.indirect.gather [hbm4b:s1+s18], $0x80, s23, s18, $0xb8;
	[tilespmem:$0x15900] =	vst v63  }
0x7f: {  	_ =	swait.ge [sflag:s6], $0x2000  }
0x80: {  	[sflag:s6] =	ssyncset.done $0x0  }
0x81: {  	s25 =	sadd.s32 $0x1000, s24;
	[sflag:s6] =	ssyncadd.s32 $0xFFFFE000  }
0x82: {  	[hbm4b:s25+s3] =	stream.linear.scatter [tilespmem:s21], [sflag:$0xC], $0x2000, $0x38;
	[tilespmem:$0x15900] =	vst v63  }
0x83: {  	_ =	swait.ge [sflag:s19], $0x2000  }
0x84: {  	[sflag:s19] =	ssyncset.done $0x0  }
0x85: {  	s26 =	simm.s32 $0x480;
	[sflag:s19] =	ssyncadd.s32 $0xFFFFE000  }
0x86: {  	[tilespmem:s31], [sflag:$0x9] =	stream.indirect.gather [hbm4b:s1+s18], $0x80, s26, s18, $0xb8;
	[tilespmem:$0x15900] =	vst v63  }
0x87: {  	_ =	swait.ge [sflag:s7], $0x2000  }
0x88: {  	[sflag:s7] =	ssyncset.done $0x0  }
0x89: {  	s29 =	sadd.s32 $0x1400, s24;
	[sflag:s7] =	ssyncadd.s32 $0xFFFFE000  }
0x8a: {  	[hbm4b:s29+s3] =	stream.linear.scatter [tilespmem:s28], [sflag:$0xD], $0x2000, $0x38;
	[tilespmem:$0x15900] =	vst v63  }
0x8b: {  	_ =	swait.ge [sflag:s20], $0x2000  }
0x8c: {  	[sflag:s20] =	ssyncset.done $0x0  }
0x8d: {  	s30 =	simm.s32 $0x4C0;
	[sflag:s20] =	ssyncadd.s32 $0xFFFFE000  }
0x8e: {  	[tilespmem:s8], [sflag:$0xA] =	stream.indirect.gather [hbm4b:s1+s18], $0x80, s30, s18, $0xb8;
	[tilespmem:$0x15900] =	vst v63  }
0x8f: {  	s22 =	simm.s32 $0xA00;
	s21 =	simm.s32 $0x3900;
	_ =	swait.ge [sflag:s9], $0x2000  }
0x90: {  	s31 =	simm.s32 $0x1900;
	s26 =	sadd.s32 $0x1800, s24;
	[sflag:s9] =	ssyncset.done $0x0  }
0x91: {  	s24 =	sadd.s32 $0x2800, s24;
	s28 =	simm.s32 $0x5900;
	[sflag:s9] =	ssyncadd.s32 $0xFFFFE000  }
.LBB2_2:
0x92: {  	s2 =	simm.s32 $0x7900  }
0x93: {  	[hbm4b:s26+s3] =	stream.linear.scatter [tilespmem:s2], [sflag:$0xE], $0x2000, $0x38;
	[tilespmem:$0x15900] =	vst v63  }
0x94: {  	s0 =	simm.s32 $0xB;
	s26 =	smov.u32 s22  }
0x95: {  	p0 =	sne.s32 s22, $0x5000;
	s22 =	sadd.s32 $0xA00, s22;
	_ =	swait.ge [sflag:s0], $0x2000  }
0x96: {  	s26 =	sshra.s32 s26, $0x2;
	[sflag:s0] =	ssyncset.done $0x0  }
0x97: {  	s29 =	sadd.s32 $0x280, s26;
	[sflag:s0] =	ssyncadd.s32 $0xFFFFE000;
	s0 =	simm.s32 $0x5  }
0x98: {  	[tilespmem:s31], [sflag:$0x1] =	stream.indirect.gather [hbm4b:s1+s18], $0x80, s29, s18, $0xb8;
	[tilespmem:$0x15900] =	vst v63  }
0x99: {  	_ =	swait.ge [sflag:s0], $0x2000  }
0x9a: {  	s23 =	simm.s32 $0x9900;
	[sflag:s0] =	ssyncset.done $0x0  }
0x9b: {  	s29 =	sadd.s32 $0xFFFFF400, s24;
	[sflag:s0] =	ssyncadd.s32 $0xFFFFE000;
	s0 =	simm.s32 $0xC  }
0x9c: {  	[hbm4b:s29+s3] =	stream.linear.scatter [tilespmem:s23], [sflag:$0xF], $0x2000, $0x38;
	[tilespmem:$0x15900] =	vst v63  }
0x9d: {  	_ =	swait.ge [sflag:s0], $0x2000  }
0x9e: {  	[sflag:s0] =	ssyncset.done $0x0  }
0x9f: {  	s29 =	sadd.s32 $0x2C0, s26;
	[sflag:s0] =	ssyncadd.s32 $0xFFFFE000;
	s0 =	simm.s32 $0x6  }
0xa0: {  	[tilespmem:s21], [sflag:$0x2] =	stream.indirect.gather [hbm4b:s1+s18], $0x80, s29, s18, $0xb8;
	[tilespmem:$0x15900] =	vst v63  }
0xa1: {  	_ =	swait.ge [sflag:s0], $0x2000  }
0xa2: {  	s30 =	simm.s32 $0xB900;
	[sflag:s0] =	ssyncset.done $0x0  }
0xa3: {  	s29 =	sadd.s32 $0xFFFFF800, s24;
	[sflag:s0] =	ssyncadd.s32 $0xFFFFE000;
	s0 =	simm.s32 $0xD  }
0xa4: {  	[hbm4b:s29+s3] =	stream.linear.scatter [tilespmem:s30], [sflag:$0x10], $0x2000, $0x38;
	[tilespmem:$0x15900] =	vst v63  }
0xa5: {  	_ =	swait.ge [sflag:s0], $0x2000  }
0xa6: {  	[sflag:s0] =	ssyncset.done $0x0  }
0xa7: {  	s29 =	sadd.s32 $0x300, s26;
	[sflag:s0] =	ssyncadd.s32 $0xFFFFE000  }
0xa8: {  	[tilespmem:s28], [sflag:$0x3] =	stream.indirect.gather [hbm4b:s1+s18], $0x80, s29, s18, $0xb8;
	[tilespmem:$0x15900] =	vst v63  }
0xa9: {  	_ =	swait.ge [sflag:s10], $0x2000  }
0xaa: {  	[sflag:s10] =	ssyncset.done $0x0  }
0xab: {  	s0 =	simm.s32 $0xD900;
	s29 =	sadd.s32 $0xFFFFFC00, s24;
	[sflag:s10] =	ssyncadd.s32 $0xFFFFE000  }
0xac: {  	[hbm4b:s29+s3] =	stream.linear.scatter [tilespmem:s0], [sflag:$0x11], $0x2000, $0x38;
	[tilespmem:$0x15900] =	vst v63  }
0xad: {  	_ =	swait.ge [sflag:s11], $0x2000  }
0xae: {  	[sflag:s11] =	ssyncset.done $0x0  }
0xaf: {  	s25 =	simm.s32 $0x7900;
	s29 =	sadd.s32 $0x340, s26;
	[sflag:s11] =	ssyncadd.s32 $0xFFFFE000  }
0xb0: {  	[tilespmem:s2], [sflag:$0x4] =	stream.indirect.gather [hbm4b:s1+s18], $0x80, s29, s18, $0xb8;
	[tilespmem:$0x15900] =	vst v63  }
0xb1: {  	_ =	swait.ge [sflag:s12], $0x2000  }
0xb2: {  	[sflag:s12] =	ssyncset.done $0x0  }
0xb3: {  	s6 =	simm.s32 $0xF900;
	[sflag:s12] =	ssyncadd.s32 $0xFFFFE000  }
0xb4: {  	[hbm4b:s24+s3] =	stream.linear.scatter [tilespmem:s6], [sflag:$0x12], $0x2000, $0x38;
	[tilespmem:$0x15900] =	vst v63  }
0xb5: {  	_ =	swait.ge [sflag:s13], $0x2000  }
0xb6: {  	[sflag:s13] =	ssyncset.done $0x0  }
0xb7: {  	s29 =	sadd.s32 $0x380, s26;
	s2 =	simm.s32 $0x9900;
	[sflag:s13] =	ssyncadd.s32 $0xFFFFE000  }
0xb8: {  	[tilespmem:s23], [sflag:$0x5] =	stream.indirect.gather [hbm4b:s1+s18], $0x80, s29, s18, $0xb8;
	[tilespmem:$0x15900] =	vst v63  }
0xb9: {  	_ =	swait.ge [sflag:s14], $0x2000  }
0xba: {  	[sflag:s14] =	ssyncset.done $0x0  }
0xbb: {  	s7 =	simm.s32 $0x11900;
	s29 =	sadd.s32 $0x400, s24;
	[sflag:s14] =	ssyncadd.s32 $0xFFFFE000  }
0xbc: {  	[hbm4b:s29+s3] =	stream.linear.scatter [tilespmem:s7], [sflag:$0x13], $0x2000, $0x38;
	[tilespmem:$0x15900] =	vst v63  }
0xbd: {  	_ =	swait.ge [sflag:s15], $0x2000  }
0xbe: {  	[sflag:s15] =	ssyncset.done $0x0  }
0xbf: {  	s23 =	simm.s32 $0xB900;
	s29 =	sadd.s32 $0x3C0, s26;
	[sflag:s15] =	ssyncadd.s32 $0xFFFFE000  }
0xc0: {  	[tilespmem:s30], [sflag:$0x6] =	stream.indirect.gather [hbm4b:s1+s18], $0x80, s29, s18, $0xb8;
	[tilespmem:$0x15900] =	vst v63  }
0xc1: {  	_ =	swait.ge [sflag:s5], $0x2000  }
0xc2: {  	[sflag:s5] =	ssyncset.done $0x0  }
0xc3: {  	s9 =	simm.s32 $0x13900;
	s29 =	sadd.s32 $0x800, s24;
	[sflag:s5] =	ssyncadd.s32 $0xFFFFE000  }
0xc4: {  	[hbm4b:s29+s3] =	stream.linear.scatter [tilespmem:s9], [sflag:$0x14], $0x2000, $0x38;
	[tilespmem:$0x15900] =	vst v63  }
0xc5: {  	_ =	swait.ge [sflag:s17], $0x2000  }
0xc6: {  	[sflag:s17] =	ssyncset.done $0x0  }
0xc7: {  	s29 =	sadd.s32 $0x400, s26;
	[sflag:s17] =	ssyncadd.s32 $0xFFFFE000  }
0xc8: {  	[tilespmem:s0], [sflag:$0x7] =	stream.indirect.gather [hbm4b:s1+s18], $0x80, s29, s18, $0xb8;
	[tilespmem:$0x15900] =	vst v63  }
0xc9: {  	s30 =	simm.s32 $0xD900;
	s0 =	simm.s32 $0x1  }
0xca: {  	_ =	swait.ge [sflag:s0], $0x2000  }
0xcb: {  	[sflag:s0] =	ssyncset.done $0x0  }
0xcc: {  	s29 =	sadd.s32 $0xC00, s24;
	[sflag:s0] =	ssyncadd.s32 $0xFFFFE000  }
0xcd: {  	[hbm4b:s29+s3] =	stream.linear.scatter [tilespmem:s31], [sflag:$0xB], $0x2000, $0x38;
	[tilespmem:$0x15900] =	vst v63  }
0xce: {  	_ =	swait.ge [sflag:s16], $0x2000  }
0xcf: {  	[sflag:s16] =	ssyncset.done $0x0  }
0xd0: {  	s29 =	sadd.s32 $0x440, s26;
	[sflag:s16] =	ssyncadd.s32 $0xFFFFE000  }
0xd1: {  	[tilespmem:s6], [sflag:$0x8] =	stream.indirect.gather [hbm4b:s1+s18], $0x80, s29, s18, $0xb8;
	[tilespmem:$0x15900] =	vst v63  }
0xd2: {  	s4 =	simm.s32 $0xF900;
	s6 =	simm.s32 $0x2  }
0xd3: {  	_ =	swait.ge [sflag:s6], $0x2000  }
0xd4: {  	[sflag:s6] =	ssyncset.done $0x0  }
0xd5: {  	s29 =	sadd.s32 $0x1000, s24;
	[sflag:s6] =	ssyncadd.s32 $0xFFFFE000  }
0xd6: {  	[hbm4b:s29+s3] =	stream.linear.scatter [tilespmem:s21], [sflag:$0xC], $0x2000, $0x38;
	[tilespmem:$0x15900] =	vst v63  }
0xd7: {  	_ =	swait.ge [sflag:s19], $0x2000  }
0xd8: {  	[sflag:s19] =	ssyncset.done $0x0  }
0xd9: {  	s29 =	sadd.s32 $0x480, s26;
	[sflag:s19] =	ssyncadd.s32 $0xFFFFE000  }
0xda: {  	[tilespmem:s7], [sflag:$0x9] =	stream.indirect.gather [hbm4b:s1+s18], $0x80, s29, s18, $0xb8;
	[tilespmem:$0x15900] =	vst v63  }
0xdb: {  	s8 =	simm.s32 $0x11900;
	s7 =	simm.s32 $0x3  }
0xdc: {  	_ =	swait.ge [sflag:s7], $0x2000  }
0xdd: {  	[sflag:s7] =	ssyncset.done $0x0  }
0xde: {  	s29 =	sadd.s32 $0x1400, s24;
	[sflag:s7] =	ssyncadd.s32 $0xFFFFE000  }
0xdf: {  	[hbm4b:s29+s3] =	stream.linear.scatter [tilespmem:s28], [sflag:$0xD], $0x2000, $0x38;
	[tilespmem:$0x15900] =	vst v63  }
0xe0: {  	_ =	swait.ge [sflag:s20], $0x2000  }
0xe1: {  	[sflag:s20] =	ssyncset.done $0x0  }
0xe2: {  	s26 =	sadd.s32 $0x4C0, s26;
	[sflag:s20] =	ssyncadd.s32 $0xFFFFE000  }
0xe3: {  	[tilespmem:s9], [sflag:$0xA] =	stream.indirect.gather [hbm4b:s1+s18], $0x80, s26, s18, $0xb8;
	[tilespmem:$0x15900] =	vst v63  }
.Ltmp0:
0xe4: {  	_ = 	snop;
	(pc) =	sbr.rel @p0 .LBB2_2-.Ltmp0, $4  }
0xe5: {  	s29 =	simm.s32 $0x13900;
	s9 =	simm.s32 $0x4  }
0xe6: {  	_ =	swait.ge [sflag:s9], $0x2000  }
0xe7: {  	[sflag:s9] =	ssyncset.done $0x0  }
0xe8: {  	s26 =	sadd.s32 $0x1800, s24;
	s24 =	sadd.s32 $0x2800, s24;
	[sflag:s9] =	ssyncadd.s32 $0xFFFFE000  }
0xe9: {  	[hbm4b:s26+s3] =	stream.linear.scatter [tilespmem:s25], [sflag:$0xE], $0x2000, $0x38;
	[tilespmem:$0x15900] =	vst v63  }
0xea: {  	s21 =	simm.s32 $0x5  }
0xeb: {  	_ =	swait.ge [sflag:s21], $0x2000  }
0xec: {  	[sflag:s21] =	ssyncset.done $0x0  }
0xed: {  	s26 =	simm.s32 $0x6;
	s22 =	rddreg [dreg:$0x9];
	[sflag:s21] =	ssyncadd.s32 $0xFFFFE000  }
0xee: {  	[hbm4b:s22+s3] =	stream.linear.scatter [tilespmem:s2], [sflag:$0xF], $0x2000, $0x38;
	[tilespmem:$0x15900] =	vst v63  }
0xef: {  	_ =	swait.ge [sflag:s26], $0x2000  }
0xf0: {  	[sflag:s26] =	ssyncset.done $0x0  }
0xf1: {  	s31 =	rddreg [dreg:$0xa];
	[sflag:s26] =	ssyncadd.s32 $0xFFFFE000  }
0xf2: {  	[hbm4b:s31+s3] =	stream.linear.scatter [tilespmem:s23], [sflag:$0x10], $0x2000, $0x38;
	[tilespmem:$0x15900] =	vst v63  }
0xf3: {  	_ =	swait.ge [sflag:s10], $0x2000  }
0xf4: {  	[sflag:s10] =	ssyncset.done $0x0  }
0xf5: {  	s2 =	rddreg [dreg:$0xb];
	[sflag:s10] =	ssyncadd.s32 $0xFFFFE000  }
0xf6: {  	[hbm4b:s2+s3] =	stream.linear.scatter [tilespmem:s30], [sflag:$0x11], $0x2000, $0x38;
	[tilespmem:$0x15900] =	vst v63  }
0xf7: {  	_ =	swait.ge [sflag:s12], $0x2000  }
0xf8: {  	[sflag:s12] =	ssyncset.done $0x0  }
0xf9: {  	s21 =	rddreg [dreg:$0xc];
	[sflag:s12] =	ssyncadd.s32 $0xFFFFE000  }
0xfa: {  	[hbm4b:s21+s3] =	stream.linear.scatter [tilespmem:s4], [sflag:$0x12], $0x2000, $0x38;
	[tilespmem:$0x15900] =	vst v63  }
0xfb: {  	_ =	swait.ge [sflag:s14], $0x2000  }
0xfc: {  	[sflag:s14] =	ssyncset.done $0x0  }
0xfd: {  	s23 =	rddreg [dreg:$0xd];
	[sflag:s14] =	ssyncadd.s32 $0xFFFFE000  }
0xfe: {  	[hbm4b:s23+s3] =	stream.linear.scatter [tilespmem:s8], [sflag:$0x13], $0x2000, $0x38;
	[tilespmem:$0x15900] =	vst v63  }
0xff: {  	_ =	swait.ge [sflag:s5], $0x2000  }
0x100: {  	[sflag:s5] =	ssyncset.done $0x0  }
0x101: {  	s25 =	simm.s32 $0xB;
	s24 =	rddreg [dreg:$0xe];
	[sflag:s5] =	ssyncadd.s32 $0xFFFFE000  }
0x102: {  	[hbm4b:s24+s3] =	stream.linear.scatter [tilespmem:s29], [sflag:$0x14], $0x2000, $0x38;
	[tilespmem:$0x15900] =	vst v63  }
0x103: {  	_ =	swait.ge [sflag:s25], $0x2000  }
0x104: {  	[sflag:s25] =	ssyncset.done $0x0  }
0x105: {  	s26 =	simm.s32 $0xC;
	[sflag:s25] =	ssyncadd.s32 $0xFFFFE000  }
0x106: {  	_ =	swait.ge [sflag:s26], $0x2000  }
0x107: {  	[sflag:s26] =	ssyncset.done $0x0  }
0x108: {  	s29 =	simm.s32 $0xD;
	[sflag:s26] =	ssyncadd.s32 $0xFFFFE000  }
0x109: {  	_ =	swait.ge [sflag:s29], $0x2000  }
0x10a: {  	[sflag:s29] =	ssyncset.done $0x0  }
0x10b: {  	[sflag:s29] =	ssyncadd.s32 $0xFFFFE000  }
0x10c: {  	_ =	swait.ge [sflag:s11], $0x2000  }
0x10d: {  	[sflag:s11] =	ssyncset.done $0x0  }
0x10e: {  	[sflag:s11] =	ssyncadd.s32 $0xFFFFE000  }
0x10f: {  	_ =	swait.ge [sflag:s13], $0x2000  }
0x110: {  	[sflag:s13] =	ssyncset.done $0x0  }
0x111: {  	[sflag:s13] =	ssyncadd.s32 $0xFFFFE000  }
0x112: {  	_ =	swait.ge [sflag:s15], $0x2000  }
0x113: {  	[sflag:s15] =	ssyncset.done $0x0  }
0x114: {  	[sflag:s15] =	ssyncadd.s32 $0xFFFFE000  }
0x115: {  	_ =	swait.ge [sflag:s17], $0x2000  }
0x116: {  	[sflag:s17] =	ssyncset.done $0x0  }
0x117: {  	[sflag:s17] =	ssyncadd.s32 $0xFFFFE000  }
0x118: {  	_ =	swait.ge [sflag:s16], $0x2000  }
0x119: {  	[sflag:s16] =	ssyncset.done $0x0  }
0x11a: {  	[sflag:s16] =	ssyncadd.s32 $0xFFFFE000  }
0x11b: {  	_ =	swait.ge [sflag:s19], $0x2000  }
0x11c: {  	[sflag:s19] =	ssyncset.done $0x0  }
0x11d: {  	[sflag:s19] =	ssyncadd.s32 $0xFFFFE000  }
0x11e: {  	_ =	swait.ge [sflag:s20], $0x2000  }
0x11f: {  	s30 =	rddreg [dreg:$0x11]  }
0x120: {  	s31 =	rddreg [dreg:$0xf];
	s2 =	sadd.s32 $0x1, s30  }
0x121: {  	p0 =	sne.s32 s2, s31  }
.Ltmp1:
0x122: {  	_ = 	snop;
	(pc) =	sbr.rel @p0 .LBB2_1-.Ltmp1, $3  }
0x123: {  	_ =	sdelay $0x1  }
0x124: {  	s28 =	simm.s32 $0x5900;
	[sflag:s20] =	ssyncset.done $0x0  }
0x125: {  	s21 =	simm.s32 $0x3900;
	s26 =	simm.s32 $0x1900;
	[sflag:s20] =	ssyncadd.s32 $0xFFFFE000  }
0x126: {  	_ =	sfence.sel $0x180000  }
0x127: {  	[bflag:$0x0] =	sbarrier.arrive $0xFFFF  }
0x128: {  	_ =	strace $0x90000047  }
0x129: {  	s0 =	stileid.u32;
	[bflag:$0x2] =	sbarrier.arrive $0xFFFF  }
0x12a: {  	p0 =	sne.s32 s0, $0x0;
	s0 =	rddreg [dreg:$0x3]  }
0x12b: {  	s0 =	sadd.s32 @!p0 $0x100000, s0  }
0x12c: {  	[sflag:s0] =	ssyncadd.tile.s32 @!p0 $0x1;
	_ =	shalt  }
.Lfunc_end2:
_tile_overlayer_lowered:
.L_overlay_start_2:
0x12d: {  	(tag) =	ssettag $0x2  }
0x12e: {  	s0 =	rddreg [dreg:$0x0];
	s2 =	stileid.u32  }
0x12f: {  	s1 =	rddreg [dreg:$0x1];
	p0 =	sne.s32 s2, $0x0  }
0x130: {  	s3 =	rddreg [dreg:$0x2];
	[bflag:$0x3] =	sbarrier.arrive $0xFFFF;
	s2 =	simm.s32 @!p0 $0x1C15  }
0x131: {  	[timem:s3], [sflag:s2] =	dma.local @!p0 [hbm:s0], s1  }
0x132: {  	s0 =	simm.s32 @!p0 $0x15  }
0x133: {  	_ =	swait.ge @!p0 [sflag:s0], s1  }
0x134: {  	s1 =	ssub.s32 @!p0 $0x0, s1;
	[sflag:s0] =	ssyncset.done @!p0 $0x0  }
0x135: {  	[sflag:s0] =	ssyncadd.s32 @!p0 s1  }
0x136: {  	[bflag:$0x3] =	sbarrier.arrive $0xFFFF  }
0x137: {  	_ =	shalt  }

</sc_bundles>
